<compile_context>
chip_gen: v7x
topology: tpu7x:2x2x1
jax: 0.10.2.dev20260603
libtpu: 0.0.44.dev20260713+nightly
codegen_flags: <defaults>
</compile_context>

<pallas_src>
import functools

import jax
import jax.numpy as jnp
from jax import lax
from jax.experimental import pallas as pl
from jax.experimental.pallas import tpu as pltpu
from jax.experimental.pallas import tpu_sc as plsc

N = 100000
E = 6400000
BLK = 2048
NBLK = 49
NP = BLK * NBLK

NC = 2
NS = 16
NW = NC * NS
EPW = E // NW
CH = 1000
NCHUNK = EPW // CH
W = 8
RPT = NP // NS
SRPT = RPT // 8


def _prep_body(hop, rd, ett, ct, c2n, c2t, tab_ref, pmax_ref, psum_ref):
    b = pl.program_id(0)
    ridx = b * BLK + lax.broadcasted_iota(jnp.int32, (BLK, 1), 0)
    ok = ridx < N
    hopv = jnp.where(ok, hop[...], 0.0)
    rdv = jnp.where(ok, rd[...], 0.0)
    ettv = jnp.where(ok, ett[...], 0.0)
    ctv = jnp.where(ok, ct[...] * (1.0 / 1440.0), 0.0)
    a = c2n[...]
    t = c2t[...]
    na = jnp.sqrt(jnp.sum(a * a, axis=1, keepdims=True))
    nb = jnp.sqrt(jnp.sum(t * t, axis=1, keepdims=True))
    cos = jnp.sum(a * t, axis=1, keepdims=True) / (
        jnp.maximum(na, 1e-6) * jnp.maximum(nb, 1e-6))
    cos = jnp.where(ok, cos, 0.0)
    valid = ok.astype(jnp.float32)
    zero = jnp.zeros((BLK, 1), jnp.float32)
    tabblk = jnp.concatenate(
        [ctv, hopv, cos, rdv, ettv, valid, zero, zero], axis=1)
    tab_ref[...] = tabblk
    pmax_ref[0] = jnp.max(jnp.abs(tabblk), axis=0, keepdims=True)
    psum_ref[0] = jnp.sum(tabblk, axis=0, keepdims=True)


def _prep(hop, rd, ett, ct, c2n, c2t):
    return pl.pallas_call(
        _prep_body,
        grid=(NBLK,),
        in_specs=[
            pl.BlockSpec((BLK, 1), lambda b: (b, 0)),
            pl.BlockSpec((BLK, 1), lambda b: (b, 0)),
            pl.BlockSpec((BLK, 1), lambda b: (b, 0)),
            pl.BlockSpec((BLK, 1), lambda b: (b, 0)),
            pl.BlockSpec((BLK, 3), lambda b: (b, 0)),
            pl.BlockSpec((BLK, 3), lambda b: (b, 0)),
        ],
        out_specs=[
            pl.BlockSpec((BLK, W), lambda b: (b, 0)),
            pl.BlockSpec((1, 1, W), lambda b: (b, 0, 0)),
            pl.BlockSpec((1, 1, W), lambda b: (b, 0, 0)),
        ],
        out_shape=[
            jax.ShapeDtypeStruct((NP, W), jnp.float32),
            jax.ShapeDtypeStruct((NBLK, 1, W), jnp.float32),
            jax.ShapeDtypeStruct((NBLK, 1, W), jnp.float32),
        ],
    )(hop, rd, ett, ct, c2n, c2t)


def _segsum_body(tab_hbm, zeros_hbm, src_hbm, dst_hbm, out_hbm,
                 tab_sh, acc_sh, stage_v,
                 src0, src1, dst0, dst1, rows0, rows1,
                 isem0, isem1, gsem, ssem0, ssem1):
    c = lax.axis_index("c")
    s = lax.axis_index("s")
    wid = c * NS + s
    rb = s * RPT

    def stage(j, carry):
        r = rb + j * SRPT
        pltpu.sync_copy(tab_hbm.at[pl.ds(r, SRPT)], stage_v)
        pltpu.sync_copy(stage_v, tab_sh.at[pl.ds(r, SRPT)])
        pltpu.sync_copy(zeros_hbm.at[pl.ds(r, SRPT)], stage_v)
        pltpu.sync_copy(stage_v, acc_sh.at[pl.ds(r, SRPT)])
        return carry

    lax.fori_loop(0, 8, stage, 0)
    plsc.subcore_barrier()

    ebase = wid * EPW
    srcs = (src0, src1)
    dsts = (dst0, dst1)
    rows = (rows0, rows1)
    isems = (isem0, isem1)
    ssems = (ssem0, ssem1)

    def idx_off(g):
        return ebase + jnp.minimum(g, NCHUNK - 1) * CH

    def start_idx(g, k):
        off = idx_off(g)
        pltpu.async_copy(src_hbm.at[pl.ds(off, CH)], srcs[k], isems[k])
        pltpu.async_copy(dst_hbm.at[pl.ds(off, CH)], dsts[k], isems[k])

    def wait_idx(g, k):
        off = idx_off(g)
        pltpu.make_async_copy(src_hbm.at[pl.ds(off, CH)], srcs[k],
                              isems[k]).wait()
        pltpu.make_async_copy(dst_hbm.at[pl.ds(off, CH)], dsts[k],
                              isems[k]).wait()

    start_idx(0, 0)
    start_idx(1, 1)

    def body(t, carry):
        g0 = 2 * t
        g1 = g0 + 1
        wait_idx(g0, 0)
        pltpu.async_copy(tab_sh.at[srcs[0]], rows[0], gsem).wait()
        h0 = pltpu.async_copy(rows[0], acc_sh.at[dsts[0]], ssems[0],
                              add=True)
        wait_idx(g1, 1)
        pltpu.async_copy(tab_sh.at[srcs[1]], rows[1], gsem).wait()
        h0.wait()
        start_idx(g0 + 2, 0)
        h1 = pltpu.async_copy(rows[1], acc_sh.at[dsts[1]], ssems[1],
                              add=True)
        h1.wait()
        start_idx(g1 + 2, 1)
        return carry

    lax.fori_loop(0, NCHUNK // 2, body, 0)
    wait_idx(NCHUNK, 0)
    wait_idx(NCHUNK + 1, 1)
    plsc.subcore_barrier()

    def drain(j, carry):
        r = rb + j * SRPT
        pltpu.sync_copy(acc_sh.at[pl.ds(r, SRPT)], stage_v)
        pltpu.sync_copy(stage_v, out_hbm.at[c].at[pl.ds(r, SRPT)])
        return carry

    lax.fori_loop(0, 8, drain, 0)


_segsum = functools.partial(
    pl.kernel,
    out_type=jax.ShapeDtypeStruct((NC, NP, W), jnp.float32),
    mesh=plsc.VectorSubcoreMesh(core_axis_name="c", subcore_axis_name="s"),
    compiler_params=pltpu.CompilerParams(use_tc_tiling_on_sc=False),
    scratch_types=[
        pltpu.VMEM_SHARED((NP, W), jnp.float32),
        pltpu.VMEM_SHARED((NP, W), jnp.float32),
        pltpu.VMEM((SRPT, W), jnp.float32),
        pltpu.VMEM((CH,), jnp.int32),
        pltpu.VMEM((CH,), jnp.int32),
        pltpu.VMEM((CH,), jnp.int32),
        pltpu.VMEM((CH,), jnp.int32),
        pltpu.VMEM((CH, W), jnp.float32),
        pltpu.VMEM((CH, W), jnp.float32),
        pltpu.SemaphoreType.DMA,
        pltpu.SemaphoreType.DMA,
        pltpu.SemaphoreType.DMA,
        pltpu.SemaphoreType.DMA,
        pltpu.SemaphoreType.DMA,
    ],
)(_segsum_body)


def _final_body(tab, parts, invm, ssum, cnod,
                aW2, ab2, aW3, ab3, aW4c, ab4, cW2, cb2, cW3, cb3, cW4c, cb4,
                pol_ref, val_ref, lscr, mscr, escr, xscr):
    ph = pl.program_id(0)
    b = pl.program_id(1)

    @pl.when(ph == 0)
    def _mlp():
        @pl.when(b == 0)
        def _init():
            mscr[0, 0] = -1e30
            xscr[...] = jnp.zeros((1, W), jnp.float32)

        acc = parts[0] + parts[1]
        deg = jnp.maximum(acc[:, 5:6], 1.0)
        x8 = acc / deg
        iv = invm[...]
        featn = tab[...] * iv
        xn = x8 * iv
        h = (featn + xn) * 0.5
        a1 = jax.nn.sigmoid(jnp.dot(h, aW2[...],
                                    preferred_element_type=jnp.float32)
                            + ab2[...])
        a2 = jax.nn.sigmoid(jnp.dot(a1, aW3[...],
                                    preferred_element_type=jnp.float32)
                            + ab3[...])
        logit = jnp.sum(a2 * aW4c[...], axis=1) + ab4[0, 0]
        ridx = b * BLK + lax.broadcasted_iota(jnp.int32, (BLK,), 0)
        bad = (ridx >= N) | (ridx == cnod[0, 0])
        logit = jnp.where(bad, -1e30, logit)
        lscr[b, :] = logit
        mscr[0, 0] = jnp.maximum(mscr[0, 0], jnp.max(logit))
        xscr[...] = xscr[...] + jnp.sum(x8, axis=0, keepdims=True)

    @pl.when(ph == 1)
    def _out():
        m = mscr[0, 0]

        @pl.when(b == 0)
        def _sum():
            def sbody(j, acc_s):
                return acc_s + jnp.sum(jnp.exp(lscr[j, :] - m))
            escr[0, 0] = lax.fori_loop(0, NBLK, sbody, 0.0)

        pol_ref[...] = jnp.exp(lscr[b, :] - m) * (1.0 / escr[0, 0])

        @pl.when(b == NBLK - 1)
        def _critic():
            iv = invm[...]
            s_ = ssum[...] * iv
            xs = xscr[...] * iv
            rn = 1.0 / float(N)
            cc = jnp.concatenate(
                [s_[:, 0:1], s_[:, 1:2], s_[:, 3:4],
                 xs[:, 0:1], xs[:, 1:2], xs[:, 3:4]], axis=1) * rn
            v1 = jax.nn.sigmoid(jnp.dot(cc, cW2[...],
                                        preferred_element_type=jnp.float32)
                                + cb2[...])
            v2 = jax.nn.sigmoid(jnp.dot(v1, cW3[...],
                                        preferred_element_type=jnp.float32)
                                + cb3[...])
            val_ref[0, 0] = jnp.sum(v2 * cW4c[...]) + cb4[0, 0]


def _final(tab, parts, invm, ssum, cnod,
           aW2p, ab2, aW3, ab3, aW4c, ab4, cW2, cb2, cW3, cb3, cW4c, cb4):
    reps = lambda shape: pl.BlockSpec(shape, lambda p, b: tuple(0 for _ in shape))
    return pl.pallas_call(
        _final_body,
        grid=(2, NBLK),
        in_specs=[
            pl.BlockSpec((BLK, W), lambda p, b: (b, 0)),
            pl.BlockSpec((NC, BLK, W), lambda p, b: (0, b, 0)),
            reps((1, W)),
            reps((1, W)),
            pl.BlockSpec(memory_space=pltpu.SMEM),
            reps((W, 256)),
            reps((1, 256)),
            reps((256, 128)),
            reps((1, 128)),
            reps((1, 128)),
            pl.BlockSpec(memory_space=pltpu.SMEM),
            reps((6, 256)),
            reps((1, 256)),
            reps((256, 128)),
            reps((1, 128)),
            reps((1, 128)),
            pl.BlockSpec(memory_space=pltpu.SMEM),
        ],
        out_specs=[
            pl.BlockSpec((BLK,), lambda p, b: (b,)),
            pl.BlockSpec(memory_space=pltpu.SMEM),
        ],
        out_shape=[
            jax.ShapeDtypeStruct((NP,), jnp.float32),
            jax.ShapeDtypeStruct((1, 1), jnp.float32),
        ],
        scratch_shapes=[
            pltpu.VMEM((NBLK, BLK), jnp.float32),
            pltpu.SMEM((1, 1), jnp.float32),
            pltpu.SMEM((1, 1), jnp.float32),
            pltpu.VMEM((1, W), jnp.float32),
        ],
    )(tab, parts, invm, ssum, cnod,
      aW2p, ab2, aW3, ab3, aW4c, ab4, cW2, cb2, cW3, cb3, cW4c, cb4)


def kernel(edge_index, hop, remaining_distance, expected_travel_time,
           current_time, curr2neigh, curr2target, nid, curr_node,
           aW2, ab2, aW3, ab3, aW4, ab4, cW2, cb2, cW3, cb3, cW4, cb4):
    tab, pmax, psum = _prep(hop, remaining_distance, expected_travel_time,
                            current_time, curr2neigh, curr2target)

    m = jnp.max(pmax[:, 0, :], axis=0)
    ssum = jnp.sum(psum[:, 0, :], axis=0, keepdims=True)
    colw = jnp.arange(W)
    norm_col = (colw >= 1) & (colw <= 4)
    invm = jnp.where(norm_col, 1.0 / jnp.maximum(m, 1e-12), 1.0)
    invm = invm.reshape(1, W).astype(jnp.float32)

    src = edge_index[0]
    dst = edge_index[1]
    zeros = jnp.zeros((NP, W), jnp.float32)
    parts = _segsum(tab, zeros, src, dst)

    aW2p = jnp.pad(aW2, ((0, 3), (0, 0)))
    cnod = jnp.asarray(curr_node, jnp.int32).reshape(1, 1)
    pol_pad, val = _final(
        tab, parts, invm, ssum, cnod,
        aW2p, ab2.reshape(1, 256), aW3, ab3.reshape(1, 128),
        aW4.reshape(1, 128), ab4.reshape(1, 1).astype(jnp.float32),
        cW2, cb2.reshape(1, 256), cW3, cb3.reshape(1, 128),
        cW4.reshape(1, 128), cb4.reshape(1, 1).astype(jnp.float32))

    policy_mask = pol_pad[:N]
    value = val.reshape(())
    return policy_mask, value

# --- scband reference (transcript-rebuilt; emitter-appended) ---
"""Pipeline reference for scband-ppoactor-critic-gnn-new-68358699483727 (READ-ONLY COPY).

The authoritative reference and input builder live on the scoring server;
editing this copy changes nothing except your own understanding.
"""

import jax, jax.numpy as jnp
import numpy as np

N = 100000
E = 6400000
H = 256

def setup_inputs(seed: int = 0) -> dict:
    key = jax.random.key(seed)
    ks = jax.random.split(key, 16)
    inp = {}
    inp["edge_index"] = jax.random.randint(ks[0], (2, E), 0, N, dtype=jnp.int32)
    inp["hop"] = jax.random.uniform(ks[1], (N, 1), dtype=jnp.float32)
    inp["remaining_distance"] = jax.random.uniform(ks[2], (N, 1), dtype=jnp.float32)
    inp["expected_travel_time"] = jax.random.uniform(ks[3], (N, 1), dtype=jnp.float32)
    inp["current_time"] = jax.random.uniform(ks[4], (N, 1), dtype=jnp.float32) * 1440.0
    inp["curr2neigh"] = jax.random.normal(ks[5], (N, 3), dtype=jnp.float32)
    inp["curr2target"] = jax.random.normal(ks[6], (N, 3), dtype=jnp.float32)
    inp["nid"] = jnp.arange(N, dtype=jnp.int32)
    inp["curr_node"] = 5
    inp["aW2"] = jax.random.normal(ks[7], (5, H), dtype=jnp.float32) * 0.1
    inp["ab2"] = jnp.zeros((H,), dtype=jnp.float32)
    inp["aW3"] = jax.random.normal(ks[8], (H, H // 2), dtype=jnp.float32) * 0.1
    inp["ab3"] = jnp.zeros((H // 2,), dtype=jnp.float32)
    inp["aW4"] = jax.random.normal(ks[9], (H // 2, 1), dtype=jnp.float32) * 0.1
    inp["ab4"] = jnp.zeros((1,), dtype=jnp.float32)
    inp["cW2"] = jax.random.normal(ks[10], (6, H), dtype=jnp.float32) * 0.1
    inp["cb2"] = jnp.zeros((H,), dtype=jnp.float32)
    inp["cW3"] = jax.random.normal(ks[11], (H, H // 2), dtype=jnp.float32) * 0.1
    inp["cb3"] = jnp.zeros((H // 2,), dtype=jnp.float32)
    inp["cW4"] = jax.random.normal(ks[12], (H // 2, 1), dtype=jnp.float32) * 0.1
    inp["cb4"] = jnp.zeros((1,), dtype=jnp.float32)
    return inp

def _sage_mean(edge_index, hn, n):
    # DGL update_all(copy_u, mean): hn_aggr[dst] = mean over incoming edges of hn[src]
    src = edge_index[0]
    dst = edge_index[1]
    s = jax.ops.segment_sum(hn[src], dst, num_segments=n)
    deg = jax.ops.segment_sum(jnp.ones((src.shape[0], 1), hn.dtype), dst, num_segments=n)
    return s / jnp.maximum(deg, 1.0)

def _inf_norm(x, eps=1e-12):
    # torch F.normalize(p=inf, dim=0): divide each column by max(|col|, eps)
    m = jnp.max(jnp.abs(x), axis=0, keepdims=True)
    return x / jnp.maximum(m, eps)

def reference(edge_index, hop, remaining_distance, expected_travel_time, current_time, curr2neigh, curr2target, nid, curr_node, aW2, ab2, aW3, ab3, aW4, ab4, cW2, cb2, cW3, cb3, cW4, cb4):
    n = hop.shape[0]
    # actor
    na = jnp.linalg.norm(curr2neigh, axis=1)
    nb = jnp.linalg.norm(curr2target, axis=1)
    cos = jnp.sum(curr2neigh * curr2target, axis=1) / (jnp.maximum(na, 1e-6) * jnp.maximum(nb, 1e-6))
    cos = cos.reshape(-1, 1)
    feat = jnp.concatenate([hop, cos, remaining_distance, expected_travel_time], axis=1)
    feat = _inf_norm(feat)
    feat = jnp.concatenate([current_time / 1440.0, feat], axis=1)
    x = _sage_mean(edge_index, feat, n)
    concat_x = (feat + x) / 2.0
    x = jax.nn.sigmoid(concat_x @ aW2 + ab2)
    x = jax.nn.sigmoid(x @ aW3 + ab3)
    policy = (x @ aW4 + ab4).squeeze(-1)
    policy = jnp.where(nid == curr_node, -jnp.inf, policy)
    policy_mask = jax.nn.softmax(policy, axis=-1)
    # critic
    featc = jnp.concatenate([hop, remaining_distance], axis=1)
    featc = _inf_norm(featc)
    featc = jnp.concatenate([current_time / 1440.0, featc], axis=1)
    xc = _sage_mean(edge_index, featc, n)
    avg0 = jnp.mean(featc, axis=0, keepdims=True)
    avg1 = jnp.mean(xc, axis=0, keepdims=True)
    cc = jnp.concatenate([avg0, avg1], axis=1)
    v = jax.nn.sigmoid(cc @ cW2 + cb2)
    v = jax.nn.sigmoid(v @ cW3 + cb3)
    value = (v @ cW4 + cb4).squeeze()
    return (policy_mask, value)

if __name__ == "__main__":
    import jax
    _d = setup_inputs()
    print(jax.jit(kernel)(*tuple(_d.values())))

</pallas_src>

<mosaic_0001>
#map = affine_map<(d0, d1) -> (0, 0)>
#map1 = affine_map<(d0, d1) -> (0)>
#map2 = affine_map<(d0, d1) -> (0, 0, 0)>
module attributes {stable_mosaic.version = 14 : i64} {
  func.func @_segsum_body(%arg0: i32, %arg1: i32, %arg2: memref<100352x8xf32, #tpu.memory_space<hbm>>, %arg3: memref<100352x8xf32, #tpu.memory_space<hbm>>, %arg4: memref<6400000xi32, #tpu.memory_space<hbm>>, %arg5: memref<6400000xi32, #tpu.memory_space<hbm>>, %arg6: memref<2x100352x8xf32, #tpu.memory_space<hbm>>, %arg7: memref<100352x8xf32, #tpu.memory_space<vmem_shared>>, %arg8: memref<100352x8xf32, #tpu.memory_space<vmem_shared>>, %arg9: memref<784x8xf32, #tpu.memory_space<vmem>>, %arg10: memref<1000xi32, #tpu.memory_space<vmem>>, %arg11: memref<1000xi32, #tpu.memory_space<vmem>>, %arg12: memref<1000xi32, #tpu.memory_space<vmem>>, %arg13: memref<1000xi32, #tpu.memory_space<vmem>>, %arg14: memref<1000x8xf32, #tpu.memory_space<vmem>>, %arg15: memref<1000x8xf32, #tpu.memory_space<vmem>>, %arg16: memref<!tpu.dma_semaphore, #tpu.memory_space<semaphore_mem>>, %arg17: memref<!tpu.dma_semaphore, #tpu.memory_space<semaphore_mem>>, %arg18: memref<!tpu.dma_semaphore, #tpu.memory_space<semaphore_mem>>, %arg19: memref<!tpu.dma_semaphore, #tpu.memory_space<semaphore_mem>>, %arg20: memref<!tpu.dma_semaphore, #tpu.memory_space<semaphore_mem>>) attributes {dimension_semantics = [#tpu.dimension_semantics<core_parallel>, #tpu.dimension_semantics<subcore_parallel>], iteration_bounds = array<i64: 2, 16>, scalar_prefetch = 0 : i64, scratch_operands = 14 : i64, tpu.core_type = #tpu.core_type<sc_vector_subcore>, window_params = [{transform_indices = #map}, {transform_indices = #map}, {transform_indices = #map1}, {transform_indices = #map1}, {transform_indices = #map2}]} {
    %mul3A = arith.constant 16 : i32
    %mul3A_0 = arith.muli %arg0, %mul3A : i32
    %add3A = arith.addi %mul3A_0, %arg1 : i32
    %mul3A_1 = arith.constant 6272 : i32
    %mul3A_2 = arith.muli %arg1, %mul3A_1 : i32
    %scan3A = arith.constant 0 : i32
    %scan3A_3 = arith.constant 0 : i32
    %scan3A_4 = arith.constant 8 : i32
    %scan3A_5 = arith.addi %scan3A_3, %scan3A_4 : i32
    %scan3A_6 = arith.constant 1 : i32
    scf.for %scan3A_60 = %scan3A_3 to %scan3A_5 step %scan3A_6  : i32 {
      %mul3A_61 = arith.constant 784 : i32
      %mul3A_62 = arith.muli %scan3A_60, %mul3A_61 : i32
      %add3A_63 = arith.addi %mul3A_2, %mul3A_62 : i32
      "tpu.region"() ({
        %run_scoped3A = tpu.sem_alloc : memref<!tpu.dma_semaphore, #tpu.memory_space<semaphore_mem>>
        %dma_start3A_64 = arith.constant 0 : i32
        %dma_start3A_65 = tpu.memref_slice %arg2[%add3A_63, %dma_start3A_64] : memref<100352x8xf32, #tpu.memory_space<hbm>> -> memref<784x8xf32, #tpu.memory_space<hbm>>
        %dma_start3A_66 = arith.constant 0 : i32
        %dma_start3A_67 = tpu.memref_slice %arg2[%add3A_63, %dma_start3A_66] : memref<100352x8xf32, #tpu.memory_space<hbm>> -> memref<784x8xf32, #tpu.memory_space<hbm>>
        tpu.enqueue_dma source(%dma_start3A_67 : memref<784x8xf32, #tpu.memory_space<hbm>>) target(%arg9 : memref<784x8xf32, #tpu.memory_space<vmem>>) target_semaphore(%run_scoped3A : memref<!tpu.dma_semaphore, #tpu.memory_space<semaphore_mem>>)
        %dma_wait3A_68 = arith.constant 0 : i32
        %dma_wait3A_69 = tpu.memref_slice %arg2[%add3A_63, %dma_wait3A_68] : memref<100352x8xf32, #tpu.memory_space<hbm>> -> memref<784x8xf32, #tpu.memory_space<hbm>>
        %dma_wait3A_70 = arith.constant 0 : i32
        %dma_wait3A_71 = tpu.memref_slice %arg2[%add3A_63, %dma_wait3A_70] : memref<100352x8xf32, #tpu.memory_space<hbm>> -> memref<784x8xf32, #tpu.memory_space<hbm>>
        tpu.wait_dma2 semaphore(%run_scoped3A : memref<!tpu.dma_semaphore, #tpu.memory_space<semaphore_mem>>) src(%dma_wait3A_71 : memref<784x8xf32, #tpu.memory_space<hbm>>) dst(%arg9 : memref<784x8xf32, #tpu.memory_space<vmem>>)
        tpu.yield
      }) : () -> ()
      "tpu.region"() ({
        %run_scoped3A = tpu.sem_alloc : memref<!tpu.dma_semaphore, #tpu.memory_space<semaphore_mem>>
        %dma_start3A_64 = arith.constant 0 : i32
        %dma_start3A_65 = tpu.memref_slice %arg7[%add3A_63, %dma_start3A_64] : memref<100352x8xf32, #tpu.memory_space<vmem_shared>> -> memref<784x8xf32, #tpu.memory_space<vmem_shared>>
        %dma_start3A_66 = arith.constant 0 : i32
        %dma_start3A_67 = tpu.memref_slice %arg7[%add3A_63, %dma_start3A_66] : memref<100352x8xf32, #tpu.memory_space<vmem_shared>> -> memref<784x8xf32, #tpu.memory_space<vmem_shared>>
        tpu.enqueue_dma source(%arg9 : memref<784x8xf32, #tpu.memory_space<vmem>>) target(%dma_start3A_67 : memref<784x8xf32, #tpu.memory_space<vmem_shared>>) target_semaphore(%run_scoped3A : memref<!tpu.dma_semaphore, #tpu.memory_space<semaphore_mem>>)
        %dma_wait3A_68 = arith.constant 0 : i32
        %dma_wait3A_69 = tpu.memref_slice %arg7[%add3A_63, %dma_wait3A_68] : memref<100352x8xf32, #tpu.memory_space<vmem_shared>> -> memref<784x8xf32, #tpu.memory_space<vmem_shared>>
        %dma_wait3A_70 = arith.constant 0 : i32
        %dma_wait3A_71 = tpu.memref_slice %arg7[%add3A_63, %dma_wait3A_70] : memref<100352x8xf32, #tpu.memory_space<vmem_shared>> -> memref<784x8xf32, #tpu.memory_space<vmem_shared>>
        tpu.wait_dma2 semaphore(%run_scoped3A : memref<!tpu.dma_semaphore, #tpu.memory_space<semaphore_mem>>) src(%arg9 : memref<784x8xf32, #tpu.memory_space<vmem>>) dst(%dma_wait3A_71 : memref<784x8xf32, #tpu.memory_space<vmem_shared>>)
        tpu.yield
      }) : () -> ()
      "tpu.region"() ({
        %run_scoped3A = tpu.sem_alloc : memref<!tpu.dma_semaphore, #tpu.memory_space<semaphore_mem>>
        %dma_start3A_64 = arith.constant 0 : i32
        %dma_start3A_65 = tpu.memref_slice %arg3[%add3A_63, %dma_start3A_64] : memref<100352x8xf32, #tpu.memory_space<hbm>> -> memref<784x8xf32, #tpu.memory_space<hbm>>
        %dma_start3A_66 = arith.constant 0 : i32
        %dma_start3A_67 = tpu.memref_slice %arg3[%add3A_63, %dma_start3A_66] : memref<100352x8xf32, #tpu.memory_space<hbm>> -> memref<784x8xf32, #tpu.memory_space<hbm>>
        tpu.enqueue_dma source(%dma_start3A_67 : memref<784x8xf32, #tpu.memory_space<hbm>>) target(%arg9 : memref<784x8xf32, #tpu.memory_space<vmem>>) target_semaphore(%run_scoped3A : memref<!tpu.dma_semaphore, #tpu.memory_space<semaphore_mem>>)
        %dma_wait3A_68 = arith.constant 0 : i32
        %dma_wait3A_69 = tpu.memref_slice %arg3[%add3A_63, %dma_wait3A_68] : memref<100352x8xf32, #tpu.memory_space<hbm>> -> memref<784x8xf32, #tpu.memory_space<hbm>>
        %dma_wait3A_70 = arith.constant 0 : i32
        %dma_wait3A_71 = tpu.memref_slice %arg3[%add3A_63, %dma_wait3A_70] : memref<100352x8xf32, #tpu.memory_space<hbm>> -> memref<784x8xf32, #tpu.memory_space<hbm>>
        tpu.wait_dma2 semaphore(%run_scoped3A : memref<!tpu.dma_semaphore, #tpu.memory_space<semaphore_mem>>) src(%dma_wait3A_71 : memref<784x8xf32, #tpu.memory_space<hbm>>) dst(%arg9 : memref<784x8xf32, #tpu.memory_space<vmem>>)
        tpu.yield
      }) : () -> ()
      "tpu.region"() ({
        %run_scoped3A = tpu.sem_alloc : memref<!tpu.dma_semaphore, #tpu.memory_space<semaphore_mem>>
        %dma_start3A_64 = arith.constant 0 : i32
        %dma_start3A_65 = tpu.memref_slice %arg8[%add3A_63, %dma_start3A_64] : memref<100352x8xf32, #tpu.memory_space<vmem_shared>> -> memref<784x8xf32, #tpu.memory_space<vmem_shared>>
        %dma_start3A_66 = arith.constant 0 : i32
        %dma_start3A_67 = tpu.memref_slice %arg8[%add3A_63, %dma_start3A_66] : memref<100352x8xf32, #tpu.memory_space<vmem_shared>> -> memref<784x8xf32, #tpu.memory_space<vmem_shared>>
        tpu.enqueue_dma source(%arg9 : memref<784x8xf32, #tpu.memory_space<vmem>>) target(%dma_start3A_67 : memref<784x8xf32, #tpu.memory_space<vmem_shared>>) target_semaphore(%run_scoped3A : memref<!tpu.dma_semaphore, #tpu.memory_space<semaphore_mem>>)
        %dma_wait3A_68 = arith.constant 0 : i32
        %dma_wait3A_69 = tpu.memref_slice %arg8[%add3A_63, %dma_wait3A_68] : memref<100352x8xf32, #tpu.memory_space<vmem_shared>> -> memref<784x8xf32, #tpu.memory_space<vmem_shared>>
        %dma_wait3A_70 = arith.constant 0 : i32
        %dma_wait3A_71 = tpu.memref_slice %arg8[%add3A_63, %dma_wait3A_70] : memref<100352x8xf32, #tpu.memory_space<vmem_shared>> -> memref<784x8xf32, #tpu.memory_space<vmem_shared>>
        tpu.wait_dma2 semaphore(%run_scoped3A : memref<!tpu.dma_semaphore, #tpu.memory_space<semaphore_mem>>) src(%arg9 : memref<784x8xf32, #tpu.memory_space<vmem>>) dst(%dma_wait3A_71 : memref<784x8xf32, #tpu.memory_space<vmem_shared>>)
        tpu.yield
      }) : () -> ()
    }
    %scan3A_7 = arith.constant 8 : i32
    %barrier3A = arith.constant 0 : index
    tpu.barrier barrier_id(%barrier3A)
    %mul3A_8 = arith.constant 200000 : i32
    %mul3A_9 = arith.muli %add3A, %mul3A_8 : i32
    %min3A = arith.constant 0 : i32
    %min3A_10 = arith.constant 199 : i32
    %min3A_11 = arith.minsi %min3A, %min3A_10 : i32
    %mul3A_12 = arith.constant 1000 : i32
    %mul3A_13 = arith.muli %min3A_11, %mul3A_12 : i32
    %add3A_14 = arith.addi %mul3A_9, %mul3A_13 : i32
    %dma_start3A = tpu.memref_slice %arg4[%add3A_14] : memref<6400000xi32, #tpu.memory_space<hbm>> -> memref<1000xi32, #tpu.memory_space<hbm>>
    %dma_start3A_15 = tpu.memref_slice %arg4[%add3A_14] : memref<6400000xi32, #tpu.memory_space<hbm>> -> memref<1000xi32, #tpu.memory_space<hbm>>
    tpu.enqueue_dma source(%dma_start3A_15 : memref<1000xi32, #tpu.memory_space<hbm>>) target(%arg10 : memref<1000xi32, #tpu.memory_space<vmem>>) target_semaphore(%arg16 : memref<!tpu.dma_semaphore, #tpu.memory_space<semaphore_mem>>)
    %dma_start3A_16 = tpu.memref_slice %arg5[%add3A_14] : memref<6400000xi32, #tpu.memory_space<hbm>> -> memref<1000xi32, #tpu.memory_space<hbm>>
    %dma_start3A_17 = tpu.memref_slice %arg5[%add3A_14] : memref<6400000xi32, #tpu.memory_space<hbm>> -> memref<1000xi32, #tpu.memory_space<hbm>>
    tpu.enqueue_dma source(%dma_start3A_17 : memref<1000xi32, #tpu.memory_space<hbm>>) target(%arg12 : memref<1000xi32, #tpu.memory_space<vmem>>) target_semaphore(%arg16 : memref<!tpu.dma_semaphore, #tpu.memory_space<semaphore_mem>>)
    %min3A_18 = arith.constant 1 : i32
    %min3A_19 = arith.constant 199 : i32
    %min3A_20 = arith.minsi %min3A_18, %min3A_19 : i32
    %mul3A_21 = arith.constant 1000 : i32
    %mul3A_22 = arith.muli %min3A_20, %mul3A_21 : i32
    %add3A_23 = arith.addi %mul3A_9, %mul3A_22 : i32
    %dma_start3A_24 = tpu.memref_slice %arg4[%add3A_23] : memref<6400000xi32, #tpu.memory_space<hbm>> -> memref<1000xi32, #tpu.memory_space<hbm>>
    %dma_start3A_25 = tpu.memref_slice %arg4[%add3A_23] : memref<6400000xi32, #tpu.memory_space<hbm>> -> memref<1000xi32, #tpu.memory_space<hbm>>
    tpu.enqueue_dma source(%dma_start3A_25 : memref<1000xi32, #tpu.memory_space<hbm>>) target(%arg11 : memref<1000xi32, #tpu.memory_space<vmem>>) target_semaphore(%arg17 : memref<!tpu.dma_semaphore, #tpu.memory_space<semaphore_mem>>)
    %dma_start3A_26 = tpu.memref_slice %arg5[%add3A_23] : memref<6400000xi32, #tpu.memory_space<hbm>> -> memref<1000xi32, #tpu.memory_space<hbm>>
    %dma_start3A_27 = tpu.memref_slice %arg5[%add3A_23] : memref<6400000xi32, #tpu.memory_space<hbm>> -> memref<1000xi32, #tpu.memory_space<hbm>>
    tpu.enqueue_dma source(%dma_start3A_27 : memref<1000xi32, #tpu.memory_space<hbm>>) target(%arg13 : memref<1000xi32, #tpu.memory_space<vmem>>) target_semaphore(%arg17 : memref<!tpu.dma_semaphore, #tpu.memory_space<semaphore_mem>>)
    %scan3A_28 = arith.constant 0 : i32
    %scan3A_29 = arith.constant 0 : i32
    %scan3A_30 = arith.constant 100 : i32
    %scan3A_31 = arith.addi %scan3A_29, %scan3A_30 : i32
    %scan3A_32 = arith.constant 1 : i32
    scf.for %scan3A_60 = %scan3A_29 to %scan3A_31 step %scan3A_32  : i32 {
      %mul3A_61 = arith.constant 2 : i32
      %mul3A_62 = arith.muli %mul3A_61, %scan3A_60 : i32
      %add3A_63 = arith.constant 1 : i32
      %add3A_64 = arith.addi %mul3A_62, %add3A_63 : i32
      %min3A_65 = arith.constant 199 : i32
      %min3A_66 = arith.minsi %mul3A_62, %min3A_65 : i32
      %mul3A_67 = arith.constant 1000 : i32
      %mul3A_68 = arith.muli %min3A_66, %mul3A_67 : i32
      %add3A_69 = arith.addi %mul3A_9, %mul3A_68 : i32
      %dma_wait3A_70 = tpu.memref_slice %arg4[%add3A_69] : memref<6400000xi32, #tpu.memory_space<hbm>> -> memref<1000xi32, #tpu.memory_space<hbm>>
      %dma_wait3A_71 = tpu.memref_slice %arg4[%add3A_69] : memref<6400000xi32, #tpu.memory_space<hbm>> -> memref<1000xi32, #tpu.memory_space<hbm>>
      tpu.wait_dma2 semaphore(%arg16 : memref<!tpu.dma_semaphore, #tpu.memory_space<semaphore_mem>>) src(%dma_wait3A_71 : memref<1000xi32, #tpu.memory_space<hbm>>) dst(%arg10 : memref<1000xi32, #tpu.memory_space<vmem>>)
      %dma_wait3A_72 = tpu.memref_slice %arg5[%add3A_69] : memref<6400000xi32, #tpu.memory_space<hbm>> -> memref<1000xi32, #tpu.memory_space<hbm>>
      %dma_wait3A_73 = tpu.memref_slice %arg5[%add3A_69] : memref<6400000xi32, #tpu.memory_space<hbm>> -> memref<1000xi32, #tpu.memory_space<hbm>>
      tpu.wait_dma2 semaphore(%arg16 : memref<!tpu.dma_semaphore, #tpu.memory_space<semaphore_mem>>) src(%dma_wait3A_73 : memref<1000xi32, #tpu.memory_space<hbm>>) dst(%arg12 : memref<1000xi32, #tpu.memory_space<vmem>>)
      %dma_start3A_74 = arith.constant 0 : i32
      %dma_start3A_75 = arith.constant 0 : i32
      %dma_start3A_76 = tpu.memref_slice %arg7[%dma_start3A_74, %dma_start3A_75] : memref<100352x8xf32, #tpu.memory_space<vmem_shared>> -> memref<100352x8xf32, #tpu.memory_space<vmem_shared>>
      tpu.enqueue_indirect_dma source(%dma_start3A_76 : memref<100352x8xf32, #tpu.memory_space<vmem_shared>>) target(%arg14 : memref<1000x8xf32, #tpu.memory_space<vmem>>) offsets(%arg10 : memref<1000xi32, #tpu.memory_space<vmem>>) semaphore(%arg18 : memref<!tpu.dma_semaphore, #tpu.memory_space<semaphore_mem>>)
      %dma_wait3A_77 = arith.constant 0 : i32
      %dma_wait3A_78 = arith.constant 0 : i32
      %dma_wait3A_79 = tpu.memref_slice %arg7[%dma_wait3A_77, %dma_wait3A_78] : memref<100352x8xf32, #tpu.memory_space<vmem_shared>> -> memref<100352x8xf32, #tpu.memory_space<vmem_shared>>
      tpu.wait_indirect_dma semaphore(%arg18 : memref<!tpu.dma_semaphore, #tpu.memory_space<semaphore_mem>>) src(%dma_wait3A_79 : memref<100352x8xf32, #tpu.memory_space<vmem_shared>>) dst(%arg14 : memref<1000x8xf32, #tpu.memory_space<vmem>>)
      %dma_start3A_80 = arith.constant 0 : i32
      %dma_start3A_81 = arith.constant 0 : i32
      %dma_start3A_82 = tpu.memref_slice %arg8[%dma_start3A_80, %dma_start3A_81] : memref<100352x8xf32, #tpu.memory_space<vmem_shared>> -> memref<100352x8xf32, #tpu.memory_space<vmem_shared>>
      tpu.enqueue_indirect_dma source(%arg14 : memref<1000x8xf32, #tpu.memory_space<vmem>>) target(%dma_start3A_82 : memref<100352x8xf32, #tpu.memory_space<vmem_shared>>) offsets(%arg12 : memref<1000xi32, #tpu.memory_space<vmem>>) semaphore(%arg19 : memref<!tpu.dma_semaphore, #tpu.memory_space<semaphore_mem>>) {add = true}
      %min3A_83 = arith.constant 199 : i32
      %min3A_84 = arith.minsi %add3A_64, %min3A_83 : i32
      %mul3A_85 = arith.constant 1000 : i32
      %mul3A_86 = arith.muli %min3A_84, %mul3A_85 : i32
      %add3A_87 = arith.addi %mul3A_9, %mul3A_86 : i32
      %dma_wait3A_88 = tpu.memref_slice %arg4[%add3A_87] : memref<6400000xi32, #tpu.memory_space<hbm>> -> memref<1000xi32, #tpu.memory_space<hbm>>
      %dma_wait3A_89 = tpu.memref_slice %arg4[%add3A_87] : memref<6400000xi32, #tpu.memory_space<hbm>> -> memref<1000xi32, #tpu.memory_space<hbm>>
      tpu.wait_dma2 semaphore(%arg17 : memref<!tpu.dma_semaphore, #tpu.memory_space<semaphore_mem>>) src(%dma_wait3A_89 : memref<1000xi32, #tpu.memory_space<hbm>>) dst(%arg11 : memref<1000xi32, #tpu.memory_space<vmem>>)
      %dma_wait3A_90 = tpu.memref_slice %arg5[%add3A_87] : memref<6400000xi32, #tpu.memory_space<hbm>> -> memref<1000xi32, #tpu.memory_space<hbm>>
      %dma_wait3A_91 = tpu.memref_slice %arg5[%add3A_87] : memref<6400000xi32, #tpu.memory_space<hbm>> -> memref<1000xi32, #tpu.memory_space<hbm>>
      tpu.wait_dma2 semaphore(%arg17 : memref<!tpu.dma_semaphore, #tpu.memory_space<semaphore_mem>>) src(%dma_wait3A_91 : memref<1000xi32, #tpu.memory_space<hbm>>) dst(%arg13 : memref<1000xi32, #tpu.memory_space<vmem>>)
      %dma_start3A_92 = arith.constant 0 : i32
      %dma_start3A_93 = arith.constant 0 : i32
      %dma_start3A_94 = tpu.memref_slice %arg7[%dma_start3A_92, %dma_start3A_93] : memref<100352x8xf32, #tpu.memory_space<vmem_shared>> -> memref<100352x8xf32, #tpu.memory_space<vmem_shared>>
      tpu.enqueue_indirect_dma source(%dma_start3A_94 : memref<100352x8xf32, #tpu.memory_space<vmem_shared>>) target(%arg15 : memref<1000x8xf32, #tpu.memory_space<vmem>>) offsets(%arg11 : memref<1000xi32, #tpu.memory_space<vmem>>) semaphore(%arg18 : memref<!tpu.dma_semaphore, #tpu.memory_space<semaphore_mem>>)
      %dma_wait3A_95 = arith.constant 0 : i32
      %dma_wait3A_96 = arith.constant 0 : i32
      %dma_wait3A_97 = tpu.memref_slice %arg7[%dma_wait3A_95, %dma_wait3A_96] : memref<100352x8xf32, #tpu.memory_space<vmem_shared>> -> memref<100352x8xf32, #tpu.memory_space<vmem_shared>>
      tpu.wait_indirect_dma semaphore(%arg18 : memref<!tpu.dma_semaphore, #tpu.memory_space<semaphore_mem>>) src(%dma_wait3A_97 : memref<100352x8xf32, #tpu.memory_space<vmem_shared>>) dst(%arg15 : memref<1000x8xf32, #tpu.memory_space<vmem>>)
      %dma_wait3A_98 = arith.constant 0 : i32
      %dma_wait3A_99 = arith.constant 0 : i32
      %dma_wait3A_100 = tpu.memref_slice %arg8[%dma_wait3A_98, %dma_wait3A_99] : memref<100352x8xf32, #tpu.memory_space<vmem_shared>> -> memref<100352x8xf32, #tpu.memory_space<vmem_shared>>
      tpu.wait_indirect_dma semaphore(%arg19 : memref<!tpu.dma_semaphore, #tpu.memory_space<semaphore_mem>>) src(%arg14 : memref<1000x8xf32, #tpu.memory_space<vmem>>) dst(%dma_wait3A_100 : memref<100352x8xf32, #tpu.memory_space<vmem_shared>>)
      %add3A_101 = arith.constant 2 : i32
      %add3A_102 = arith.addi %mul3A_62, %add3A_101 : i32
      %min3A_103 = arith.constant 199 : i32
      %min3A_104 = arith.minsi %add3A_102, %min3A_103 : i32
      %mul3A_105 = arith.constant 1000 : i32
      %mul3A_106 = arith.muli %min3A_104, %mul3A_105 : i32
      %add3A_107 = arith.addi %mul3A_9, %mul3A_106 : i32
      %dma_start3A_108 = tpu.memref_slice %arg4[%add3A_107] : memref<6400000xi32, #tpu.memory_space<hbm>> -> memref<1000xi32, #tpu.memory_space<hbm>>
      %dma_start3A_109 = tpu.memref_slice %arg4[%add3A_107] : memref<6400000xi32, #tpu.memory_space<hbm>> -> memref<1000xi32, #tpu.memory_space<hbm>>
      tpu.enqueue_dma source(%dma_start3A_109 : memref<1000xi32, #tpu.memory_space<hbm>>) target(%arg10 : memref<1000xi32, #tpu.memory_space<vmem>>) target_semaphore(%arg16 : memref<!tpu.dma_semaphore, #tpu.memory_space<semaphore_mem>>)
      %dma_start3A_110 = tpu.memref_slice %arg5[%add3A_107] : memref<6400000xi32, #tpu.memory_space<hbm>> -> memref<1000xi32, #tpu.memory_space<hbm>>
      %dma_start3A_111 = tpu.memref_slice %arg5[%add3A_107] : memref<6400000xi32, #tpu.memory_space<hbm>> -> memref<1000xi32, #tpu.memory_space<hbm>>
      tpu.enqueue_dma source(%dma_start3A_111 : memref<1000xi32, #tpu.memory_space<hbm>>) target(%arg12 : memref<1000xi32, #tpu.memory_space<vmem>>) target_semaphore(%arg16 : memref<!tpu.dma_semaphore, #tpu.memory_space<semaphore_mem>>)
      %dma_start3A_112 = arith.constant 0 : i32
      %dma_start3A_113 = arith.constant 0 : i32
      %dma_start3A_114 = tpu.memref_slice %arg8[%dma_start3A_112, %dma_start3A_113] : memref<100352x8xf32, #tpu.memory_space<vmem_shared>> -> memref<100352x8xf32, #tpu.memory_space<vmem_shared>>
      tpu.enqueue_indirect_dma source(%arg15 : memref<1000x8xf32, #tpu.memory_space<vmem>>) target(%dma_start3A_114 : memref<100352x8xf32, #tpu.memory_space<vmem_shared>>) offsets(%arg13 : memref<1000xi32, #tpu.memory_space<vmem>>) semaphore(%arg20 : memref<!tpu.dma_semaphore, #tpu.memory_space<semaphore_mem>>) {add = true}
      %dma_wait3A_115 = arith.constant 0 : i32
      %dma_wait3A_116 = arith.constant 0 : i32
      %dma_wait3A_117 = tpu.memref_slice %arg8[%dma_wait3A_115, %dma_wait3A_116] : memref<100352x8xf32, #tpu.memory_space<vmem_shared>> -> memref<100352x8xf32, #tpu.memory_space<vmem_shared>>
      tpu.wait_indirect_dma semaphore(%arg20 : memref<!tpu.dma_semaphore, #tpu.memory_space<semaphore_mem>>) src(%arg15 : memref<1000x8xf32, #tpu.memory_space<vmem>>) dst(%dma_wait3A_117 : memref<100352x8xf32, #tpu.memory_space<vmem_shared>>)
      %add3A_118 = arith.constant 2 : i32
      %add3A_119 = arith.addi %add3A_64, %add3A_118 : i32
      %min3A_120 = arith.constant 199 : i32
      %min3A_121 = arith.minsi %add3A_119, %min3A_120 : i32
      %mul3A_122 = arith.constant 1000 : i32
      %mul3A_123 = arith.muli %min3A_121, %mul3A_122 : i32
      %add3A_124 = arith.addi %mul3A_9, %mul3A_123 : i32
      %dma_start3A_125 = tpu.memref_slice %arg4[%add3A_124] : memref<6400000xi32, #tpu.memory_space<hbm>> -> memref<1000xi32, #tpu.memory_space<hbm>>
      %dma_start3A_126 = tpu.memref_slice %arg4[%add3A_124] : memref<6400000xi32, #tpu.memory_space<hbm>> -> memref<1000xi32, #tpu.memory_space<hbm>>
      tpu.enqueue_dma source(%dma_start3A_126 : memref<1000xi32, #tpu.memory_space<hbm>>) target(%arg11 : memref<1000xi32, #tpu.memory_space<vmem>>) target_semaphore(%arg17 : memref<!tpu.dma_semaphore, #tpu.memory_space<semaphore_mem>>)
      %dma_start3A_127 = tpu.memref_slice %arg5[%add3A_124] : memref<6400000xi32, #tpu.memory_space<hbm>> -> memref<1000xi32, #tpu.memory_space<hbm>>
      %dma_start3A_128 = tpu.memref_slice %arg5[%add3A_124] : memref<6400000xi32, #tpu.memory_space<hbm>> -> memref<1000xi32, #tpu.memory_space<hbm>>
      tpu.enqueue_dma source(%dma_start3A_128 : memref<1000xi32, #tpu.memory_space<hbm>>) target(%arg13 : memref<1000xi32, #tpu.memory_space<vmem>>) target_semaphore(%arg17 : memref<!tpu.dma_semaphore, #tpu.memory_space<semaphore_mem>>)
    }
    %scan3A_33 = arith.constant 100 : i32
    %min3A_34 = arith.constant 200 : i32
    %min3A_35 = arith.constant 199 : i32
    %min3A_36 = arith.minsi %min3A_34, %min3A_35 : i32
    %mul3A_37 = arith.constant 1000 : i32
    %mul3A_38 = arith.muli %min3A_36, %mul3A_37 : i32
    %add3A_39 = arith.addi %mul3A_9, %mul3A_38 : i32
    %dma_wait3A = tpu.memref_slice %arg4[%add3A_39] : memref<6400000xi32, #tpu.memory_space<hbm>> -> memref<1000xi32, #tpu.memory_space<hbm>>
    %dma_wait3A_40 = tpu.memref_slice %arg4[%add3A_39] : memref<6400000xi32, #tpu.memory_space<hbm>> -> memref<1000xi32, #tpu.memory_space<hbm>>
    tpu.wait_dma2 semaphore(%arg16 : memref<!tpu.dma_semaphore, #tpu.memory_space<semaphore_mem>>) src(%dma_wait3A_40 : memref<1000xi32, #tpu.memory_space<hbm>>) dst(%arg10 : memref<1000xi32, #tpu.memory_space<vmem>>)
    %dma_wait3A_41 = tpu.memref_slice %arg5[%add3A_39] : memref<6400000xi32, #tpu.memory_space<hbm>> -> memref<1000xi32, #tpu.memory_space<hbm>>
    %dma_wait3A_42 = tpu.memref_slice %arg5[%add3A_39] : memref<6400000xi32, #tpu.memory_space<hbm>> -> memref<1000xi32, #tpu.memory_space<hbm>>
    tpu.wait_dma2 semaphore(%arg16 : memref<!tpu.dma_semaphore, #tpu.memory_space<semaphore_mem>>) src(%dma_wait3A_42 : memref<1000xi32, #tpu.memory_space<hbm>>) dst(%arg12 : memref<1000xi32, #tpu.memory_space<vmem>>)
    %min3A_43 = arith.constant 201 : i32
    %min3A_44 = arith.constant 199 : i32
    %min3A_45 = arith.minsi %min3A_43, %min3A_44 : i32
    %mul3A_46 = arith.constant 1000 : i32
    %mul3A_47 = arith.muli %min3A_45, %mul3A_46 : i32
    %add3A_48 = arith.addi %mul3A_9, %mul3A_47 : i32
    %dma_wait3A_49 = tpu.memref_slice %arg4[%add3A_48] : memref<6400000xi32, #tpu.memory_space<hbm>> -> memref<1000xi32, #tpu.memory_space<hbm>>
    %dma_wait3A_50 = tpu.memref_slice %arg4[%add3A_48] : memref<6400000xi32, #tpu.memory_space<hbm>> -> memref<1000xi32, #tpu.memory_space<hbm>>
    tpu.wait_dma2 semaphore(%arg17 : memref<!tpu.dma_semaphore, #tpu.memory_space<semaphore_mem>>) src(%dma_wait3A_50 : memref<1000xi32, #tpu.memory_space<hbm>>) dst(%arg11 : memref<1000xi32, #tpu.memory_space<vmem>>)
    %dma_wait3A_51 = tpu.memref_slice %arg5[%add3A_48] : memref<6400000xi32, #tpu.memory_space<hbm>> -> memref<1000xi32, #tpu.memory_space<hbm>>
    %dma_wait3A_52 = tpu.memref_slice %arg5[%add3A_48] : memref<6400000xi32, #tpu.memory_space<hbm>> -> memref<1000xi32, #tpu.memory_space<hbm>>
    tpu.wait_dma2 semaphore(%arg17 : memref<!tpu.dma_semaphore, #tpu.memory_space<semaphore_mem>>) src(%dma_wait3A_52 : memref<1000xi32, #tpu.memory_space<hbm>>) dst(%arg13 : memref<1000xi32, #tpu.memory_space<vmem>>)
    %barrier3A_53 = arith.constant 0 : index
    tpu.barrier barrier_id(%barrier3A_53)
    %scan3A_54 = arith.constant 0 : i32
    %scan3A_55 = arith.constant 0 : i32
    %scan3A_56 = arith.constant 8 : i32
    %scan3A_57 = arith.addi %scan3A_55, %scan3A_56 : i32
    %scan3A_58 = arith.constant 1 : i32
    scf.for %scan3A_60 = %scan3A_55 to %scan3A_57 step %scan3A_58  : i32 {
      %mul3A_61 = arith.constant 784 : i32
      %mul3A_62 = arith.muli %scan3A_60, %mul3A_61 : i32
      %add3A_63 = arith.addi %mul3A_2, %mul3A_62 : i32
      "tpu.region"() ({
        %run_scoped3A = tpu.sem_alloc : memref<!tpu.dma_semaphore, #tpu.memory_space<semaphore_mem>>
        %dma_start3A_64 = arith.constant 0 : i32
        %dma_start3A_65 = tpu.memref_slice %arg8[%add3A_63, %dma_start3A_64] : memref<100352x8xf32, #tpu.memory_space<vmem_shared>> -> memref<784x8xf32, #tpu.memory_space<vmem_shared>>
        %dma_start3A_66 = arith.constant 0 : i32
        %dma_start3A_67 = tpu.memref_slice %arg8[%add3A_63, %dma_start3A_66] : memref<100352x8xf32, #tpu.memory_space<vmem_shared>> -> memref<784x8xf32, #tpu.memory_space<vmem_shared>>
        tpu.enqueue_dma source(%dma_start3A_67 : memref<784x8xf32, #tpu.memory_space<vmem_shared>>) target(%arg9 : memref<784x8xf32, #tpu.memory_space<vmem>>) target_semaphore(%run_scoped3A : memref<!tpu.dma_semaphore, #tpu.memory_space<semaphore_mem>>)
        %dma_wait3A_68 = arith.constant 0 : i32
        %dma_wait3A_69 = tpu.memref_slice %arg8[%add3A_63, %dma_wait3A_68] : memref<100352x8xf32, #tpu.memory_space<vmem_shared>> -> memref<784x8xf32, #tpu.memory_space<vmem_shared>>
        %dma_wait3A_70 = arith.constant 0 : i32
        %dma_wait3A_71 = tpu.memref_slice %arg8[%add3A_63, %dma_wait3A_70] : memref<100352x8xf32, #tpu.memory_space<vmem_shared>> -> memref<784x8xf32, #tpu.memory_space<vmem_shared>>
        tpu.wait_dma2 semaphore(%run_scoped3A : memref<!tpu.dma_semaphore, #tpu.memory_space<semaphore_mem>>) src(%dma_wait3A_71 : memref<784x8xf32, #tpu.memory_space<vmem_shared>>) dst(%arg9 : memref<784x8xf32, #tpu.memory_space<vmem>>)
        tpu.yield
      }) : () -> ()
      "tpu.region"() ({
        %run_scoped3A = tpu.sem_alloc : memref<!tpu.dma_semaphore, #tpu.memory_space<semaphore_mem>>
        %dma_start3A_64 = arith.constant 0 : i32
        %dma_start3A_65 = arith.constant 0 : i32
        %dma_start3A_66 = tpu.memref_slice %arg6[%arg0, %dma_start3A_64, %dma_start3A_65] : memref<2x100352x8xf32, #tpu.memory_space<hbm>> -> memref<1x100352x8xf32, #tpu.memory_space<hbm>>
        %dma_start3A_67 = tpu.memref_squeeze %dma_start3A_66 : memref<1x100352x8xf32, #tpu.memory_space<hbm>> -> memref<100352x8xf32, #tpu.memory_space<hbm>>
        %dma_start3A_68 = arith.constant 0 : i32
        %dma_start3A_69 = tpu.memref_slice %dma_start3A_67[%add3A_63, %dma_start3A_68] : memref<100352x8xf32, #tpu.memory_space<hbm>> -> memref<784x8xf32, #tpu.memory_space<hbm>>
        %dma_start3A_70 = arith.constant 0 : i32
        %dma_start3A_71 = arith.constant 0 : i32
        %dma_start3A_72 = tpu.memref_slice %arg6[%arg0, %dma_start3A_70, %dma_start3A_71] : memref<2x100352x8xf32, #tpu.memory_space<hbm>> -> memref<1x100352x8xf32, #tpu.memory_space<hbm>>
        %dma_start3A_73 = tpu.memref_squeeze %dma_start3A_72 : memref<1x100352x8xf32, #tpu.memory_space<hbm>> -> memref<100352x8xf32, #tpu.memory_space<hbm>>
        %dma_start3A_74 = arith.constant 0 : i32
        %dma_start3A_75 = tpu.memref_slice %dma_start3A_73[%add3A_63, %dma_start3A_74] : memref<100352x8xf32, #tpu.memory_space<hbm>> -> memref<784x8xf32, #tpu.memory_space<hbm>>
        tpu.enqueue_dma source(%arg9 : memref<784x8xf32, #tpu.memory_space<vmem>>) target(%dma_start3A_75 : memref<784x8xf32, #tpu.memory_space<hbm>>) target_semaphore(%run_scoped3A : memref<!tpu.dma_semaphore, #tpu.memory_space<semaphore_mem>>)
        %dma_wait3A_76 = arith.constant 0 : i32
        %dma_wait3A_77 = arith.constant 0 : i32
        %dma_wait3A_78 = tpu.memref_slice %arg6[%arg0, %dma_wait3A_76, %dma_wait3A_77] : memref<2x100352x8xf32, #tpu.memory_space<hbm>> -> memref<1x100352x8xf32, #tpu.memory_space<hbm>>
        %dma_wait3A_79 = tpu.memref_squeeze %dma_wait3A_78 : memref<1x100352x8xf32, #tpu.memory_space<hbm>> -> memref<100352x8xf32, #tpu.memory_space<hbm>>
        %dma_wait3A_80 = arith.constant 0 : i32
        %dma_wait3A_81 = tpu.memref_slice %dma_wait3A_79[%add3A_63, %dma_wait3A_80] : memref<100352x8xf32, #tpu.memory_space<hbm>> -> memref<784x8xf32, #tpu.memory_space<hbm>>
        %dma_wait3A_82 = arith.constant 0 : i32
        %dma_wait3A_83 = arith.constant 0 : i32
        %dma_wait3A_84 = tpu.memref_slice %arg6[%arg0, %dma_wait3A_82, %dma_wait3A_83] : memref<2x100352x8xf32, #tpu.memory_space<hbm>> -> memref<1x100352x8xf32, #tpu.memory_space<hbm>>
        %dma_wait3A_85 = tpu.memref_squeeze %dma_wait3A_84 : memref<1x100352x8xf32, #tpu.memory_space<hbm>> -> memref<100352x8xf32, #tpu.memory_space<hbm>>
        %dma_wait3A_86 = arith.constant 0 : i32
        %dma_wait3A_87 = tpu.memref_slice %dma_wait3A_85[%add3A_63, %dma_wait3A_86] : memref<100352x8xf32, #tpu.memory_space<hbm>> -> memref<784x8xf32, #tpu.memory_space<hbm>>
        tpu.wait_dma2 semaphore(%run_scoped3A : memref<!tpu.dma_semaphore, #tpu.memory_space<semaphore_mem>>) src(%arg9 : memref<784x8xf32, #tpu.memory_space<vmem>>) dst(%dma_wait3A_87 : memref<784x8xf32, #tpu.memory_space<hbm>>)
        tpu.yield
      }) : () -> ()
    }
    %scan3A_59 = arith.constant 8 : i32
    return
  }
}

module attributes {stable_mosaic.version = 14 : i64} {
  func.func @_prep_body(%arg0: i32, %arg1: memref<2048x1xf32, #tpu.memory_space<vmem>>, %arg2: memref<2048x1xf32, #tpu.memory_space<vmem>>, %arg3: memref<2048x1xf32, #tpu.memory_space<vmem>>, %arg4: memref<2048x1xf32, #tpu.memory_space<vmem>>, %arg5: memref<2048x3xf32, #tpu.memory_space<vmem>>, %arg6: memref<2048x3xf32, #tpu.memory_space<vmem>>, %arg7: memref<2048x8xf32, #tpu.memory_space<vmem>>, %arg8: memref<1x1x8xf32, #tpu.memory_space<vmem>>, %arg9: memref<1x1x8xf32, #tpu.memory_space<vmem>>) attributes {dimension_semantics = [#tpu.dimension_semantics<arbitrary>], iteration_bounds = array<i64: 49>, scalar_prefetch = 0 : i64, scratch_operands = 0 : i64, tpu.core_type = #tpu.core_type<tc>, window_params = [{transform_indices = @transform_0, window_bounds = array<i64: 2048, 1>}, {transform_indices = @transform_1, window_bounds = array<i64: 2048, 1>}, {transform_indices = @transform_2, window_bounds = array<i64: 2048, 1>}, {transform_indices = @transform_3, window_bounds = array<i64: 2048, 1>}, {transform_indices = @transform_4, window_bounds = array<i64: 2048, 3>}, {transform_indices = @transform_5, window_bounds = array<i64: 2048, 3>}, {transform_indices = @transform_6, window_bounds = array<i64: 2048, 8>}, {transform_indices = @transform_7, window_bounds = array<i64: 1, 1, 8>}, {transform_indices = @transform_8, window_bounds = array<i64: 1, 1, 8>}]} {
    %mul3A = arith.constant 2048 : i32
    %mul3A_0 = arith.muli %arg0, %mul3A : i32
    %iota3A = tpu.iota {dimensions = array<i32: 0>} : vector<2048x1xi32>
    %add3A = vector.broadcast %mul3A_0 : i32 to vector<2048x1xi32>
    %add3A_1 = arith.addi %add3A, %iota3A : vector<2048x1xi32>
    %lt3A = arith.constant 100000 : i32
    %lt3A_2 = vector.broadcast %lt3A : i32 to vector<2048x1xi32>
    %lt3A_3 = arith.cmpi slt, %add3A_1, %lt3A_2 : vector<2048x1xi32>
    %get3A = arith.constant 0 : index
    %get3A_4 = arith.constant 0 : index
    %get3A_5 = vector.load %arg1[%get3A, %get3A_4] : memref<2048x1xf32, #tpu.memory_space<vmem>>, vector<2048x1xf32>
    %jit3A = arith.constant 0.000000e+00 : f32
    %broadcast_in_dim3A = vector.broadcast %jit3A : f32 to vector<2048x1xf32>
    %select_n3A = arith.select %lt3A_3, %get3A_5, %broadcast_in_dim3A : vector<2048x1xi1>, vector<2048x1xf32>
    %get3A_6 = arith.constant 0 : index
    %get3A_7 = arith.constant 0 : index
    %get3A_8 = vector.load %arg2[%get3A_6, %get3A_7] : memref<2048x1xf32, #tpu.memory_space<vmem>>, vector<2048x1xf32>
    %jit3A_9 = arith.constant 0.000000e+00 : f32
    %broadcast_in_dim3A_10 = vector.broadcast %jit3A_9 : f32 to vector<2048x1xf32>
    %select_n3A_11 = arith.select %lt3A_3, %get3A_8, %broadcast_in_dim3A_10 : vector<2048x1xi1>, vector<2048x1xf32>
    %get3A_12 = arith.constant 0 : index
    %get3A_13 = arith.constant 0 : index
    %get3A_14 = vector.load %arg3[%get3A_12, %get3A_13] : memref<2048x1xf32, #tpu.memory_space<vmem>>, vector<2048x1xf32>
    %jit3A_15 = arith.constant 0.000000e+00 : f32
    %broadcast_in_dim3A_16 = vector.broadcast %jit3A_15 : f32 to vector<2048x1xf32>
    %select_n3A_17 = arith.select %lt3A_3, %get3A_14, %broadcast_in_dim3A_16 : vector<2048x1xi1>, vector<2048x1xf32>
    %get3A_18 = arith.constant 0 : index
    %get3A_19 = arith.constant 0 : index
    %get3A_20 = vector.load %arg4[%get3A_18, %get3A_19] : memref<2048x1xf32, #tpu.memory_space<vmem>>, vector<2048x1xf32>
    %mul3A_21 = arith.constant 6.94444461E-4 : f32
    %mul3A_22 = vector.broadcast %mul3A_21 : f32 to vector<2048x1xf32>
    %mul3A_23 = arith.mulf %get3A_20, %mul3A_22 : vector<2048x1xf32>
    %jit3A_24 = arith.constant 0.000000e+00 : f32
    %broadcast_in_dim3A_25 = vector.broadcast %jit3A_24 : f32 to vector<2048x1xf32>
    %select_n3A_26 = arith.select %lt3A_3, %mul3A_23, %broadcast_in_dim3A_25 : vector<2048x1xi1>, vector<2048x1xf32>
    %get3A_27 = arith.constant 0 : index
    %get3A_28 = arith.constant 0 : index
    %get3A_29 = vector.load %arg5[%get3A_27, %get3A_28] : memref<2048x3xf32, #tpu.memory_space<vmem>>, vector<2048x3xf32>
    %get3A_30 = arith.constant 0 : index
    %get3A_31 = arith.constant 0 : index
    %get3A_32 = vector.load %arg6[%get3A_30, %get3A_31] : memref<2048x3xf32, #tpu.memory_space<vmem>>, vector<2048x3xf32>
    %mul3A_33 = arith.mulf %get3A_29, %get3A_29 : vector<2048x3xf32>
    %reduce_sum3A = arith.constant dense<0.000000e+00> : vector<2048xf32>
    %reduce_sum3A_34 = vector.multi_reduction <add>, %mul3A_33, %reduce_sum3A [1] : vector<2048x3xf32> to vector<2048xf32>
    %broadcast_in_dim3A_35 = vector.shape_cast %reduce_sum3A_34 : vector<2048xf32> to vector<2048x1xf32>
    %sqrt3A = math.sqrt %broadcast_in_dim3A_35 : vector<2048x1xf32>
    %mul3A_36 = arith.mulf %get3A_32, %get3A_32 : vector<2048x3xf32>
    %reduce_sum3A_37 = arith.constant dense<0.000000e+00> : vector<2048xf32>
    %reduce_sum3A_38 = vector.multi_reduction <add>, %mul3A_36, %reduce_sum3A_37 [1] : vector<2048x3xf32> to vector<2048xf32>
    %broadcast_in_dim3A_39 = vector.shape_cast %reduce_sum3A_38 : vector<2048xf32> to vector<2048x1xf32>
    %sqrt3A_40 = math.sqrt %broadcast_in_dim3A_39 : vector<2048x1xf32>
    %mul3A_41 = arith.mulf %get3A_29, %get3A_32 : vector<2048x3xf32>
    %reduce_sum3A_42 = arith.constant dense<0.000000e+00> : vector<2048xf32>
    %reduce_sum3A_43 = vector.multi_reduction <add>, %mul3A_41, %reduce_sum3A_42 [1] : vector<2048x3xf32> to vector<2048xf32>
    %broadcast_in_dim3A_44 = vector.shape_cast %reduce_sum3A_43 : vector<2048xf32> to vector<2048x1xf32>
    %max3A = arith.constant 9.99999997E-7 : f32
    %max3A_45 = vector.broadcast %max3A : f32 to vector<2048x1xf32>
    %max3A_46 = arith.maximumf %sqrt3A, %max3A_45 : vector<2048x1xf32>
    %max3A_47 = arith.constant 9.99999997E-7 : f32
    %max3A_48 = vector.broadcast %max3A_47 : f32 to vector<2048x1xf32>
    %max3A_49 = arith.maximumf %sqrt3A_40, %max3A_48 : vector<2048x1xf32>
    %mul3A_50 = arith.mulf %max3A_46, %max3A_49 : vector<2048x1xf32>
    %div3A = arith.divf %broadcast_in_dim3A_44, %mul3A_50 : vector<2048x1xf32>
    %jit3A_51 = arith.constant 0.000000e+00 : f32
    %broadcast_in_dim3A_52 = vector.broadcast %jit3A_51 : f32 to vector<2048x1xf32>
    %select_n3A_53 = arith.select %lt3A_3, %div3A, %broadcast_in_dim3A_52 : vector<2048x1xi1>, vector<2048x1xf32>
    %convert_element_type3A = arith.extui %lt3A_3 : vector<2048x1xi1> to vector<2048x1xi32>
    %convert_element_type3A_54 = arith.sitofp %convert_element_type3A : vector<2048x1xi32> to vector<2048x1xf32>
    %broadcast_in_dim3A_55 = arith.constant 0.000000e+00 : f32
    %broadcast_in_dim3A_56 = vector.broadcast %broadcast_in_dim3A_55 : f32 to vector<2048x1xf32>
    %concatenate3A = tpu.concatenate %select_n3A_26, %select_n3A, %select_n3A_53, %select_n3A_11, %select_n3A_17, %convert_element_type3A_54, %broadcast_in_dim3A_56, %broadcast_in_dim3A_56 in 1 : vector<2048x1xf32>, vector<2048x1xf32>, vector<2048x1xf32>, vector<2048x1xf32>, vector<2048x1xf32>, vector<2048x1xf32>, vector<2048x1xf32>, vector<2048x1xf32> -> vector<2048x8xf32>
    %swap3A = arith.constant 0 : index
    %swap3A_57 = arith.constant 0 : index
    %swap3A_58 = vector.load %arg7[%swap3A, %swap3A_57] : memref<2048x8xf32, #tpu.memory_space<vmem>>, vector<2048x8xf32>
    tpu.vector_store %arg7[%swap3A, %swap3A_57], %concatenate3A {strides = array<i32>} : memref<2048x8xf32, #tpu.memory_space<vmem>>, vector<2048x8xf32>,
    %abs3A = math.absf %concatenate3A : vector<2048x8xf32>
    %reduce_max3A = arith.constant dense<0xFF800000> : vector<8xf32>
    %reduce_max3A_59 = vector.multi_reduction <maximumf>, %abs3A, %reduce_max3A [0] : vector<2048x8xf32> to vector<8xf32>
    %broadcast_in_dim3A_60 = vector.shape_cast %reduce_max3A_59 : vector<8xf32> to vector<1x8xf32>
    %swap3A_61 = arith.constant 0 : index
    %swap3A_62 = arith.constant 0 : index
    %swap3A_63 = arith.constant 0 : index
    %swap3A_64 = vector.load %arg8[%swap3A_61, %swap3A_62, %swap3A_63] : memref<1x1x8xf32, #tpu.memory_space<vmem>>, vector<1x1x8xf32>
    %swap3A_65 = vector.shape_cast %swap3A_64 : vector<1x1x8xf32> to vector<1x8xf32>
    %swap3A_66 = vector.shape_cast %broadcast_in_dim3A_60 : vector<1x8xf32> to vector<1x1x8xf32>
    tpu.vector_store %arg8[%swap3A_61, %swap3A_62, %swap3A_63], %swap3A_66 {strides = array<i32>} : memref<1x1x8xf32, #tpu.memory_space<vmem>>, vector<1x1x8xf32>,
    %reduce_sum3A_67 = arith.constant dense<0.000000e+00> : vector<8xf32>
    %reduce_sum3A_68 = vector.multi_reduction <add>, %concatenate3A, %reduce_sum3A_67 [0] : vector<2048x8xf32> to vector<8xf32>
    %broadcast_in_dim3A_69 = vector.shape_cast %reduce_sum3A_68 : vector<8xf32> to vector<1x8xf32>
    %swap3A_70 = arith.constant 0 : index
    %swap3A_71 = arith.constant 0 : index
    %swap3A_72 = arith.constant 0 : index
    %swap3A_73 = vector.load %arg9[%swap3A_70, %swap3A_71, %swap3A_72] : memref<1x1x8xf32, #tpu.memory_space<vmem>>, vector<1x1x8xf32>
    %swap3A_74 = vector.shape_cast %swap3A_73 : vector<1x1x8xf32> to vector<1x8xf32>
    %swap3A_75 = vector.shape_cast %broadcast_in_dim3A_69 : vector<1x8xf32> to vector<1x1x8xf32>
    tpu.vector_store %arg9[%swap3A_70, %swap3A_71, %swap3A_72], %swap3A_75 {strides = array<i32>} : memref<1x1x8xf32, #tpu.memory_space<vmem>>, vector<1x1x8xf32>,
    return
  }
  func.func @transform_0(%arg0: i32) -> (i32, i32) {
    %c0_i32 = arith.constant 0 : i32
    %c0_i32_0 = arith.constant 0 : i32
    return %arg0, %c0_i32 : i32, i32
  }
  func.func @transform_1(%arg0: i32) -> (i32, i32) {
    %c0_i32 = arith.constant 0 : i32
    %c0_i32_0 = arith.constant 0 : i32
    return %arg0, %c0_i32 : i32, i32
  }
  func.func @transform_2(%arg0: i32) -> (i32, i32) {
    %c0_i32 = arith.constant 0 : i32
    %c0_i32_0 = arith.constant 0 : i32
    return %arg0, %c0_i32 : i32, i32
  }
  func.func @transform_3(%arg0: i32) -> (i32, i32) {
    %c0_i32 = arith.constant 0 : i32
    %c0_i32_0 = arith.constant 0 : i32
    return %arg0, %c0_i32 : i32, i32
  }
  func.func @transform_4(%arg0: i32) -> (i32, i32) {
    %c0_i32 = arith.constant 0 : i32
    %c0_i32_0 = arith.constant 0 : i32
    return %arg0, %c0_i32 : i32, i32
  }
  func.func @transform_5(%arg0: i32) -> (i32, i32) {
    %c0_i32 = arith.constant 0 : i32
    %c0_i32_0 = arith.constant 0 : i32
    return %arg0, %c0_i32 : i32, i32
  }
  func.func @transform_6(%arg0: i32) -> (i32, i32) {
    %c0_i32 = arith.constant 0 : i32
    %c0_i32_0 = arith.constant 0 : i32
    return %arg0, %c0_i32 : i32, i32
  }
  func.func @transform_7(%arg0: i32) -> (i32, i32, i32) {
    %c0_i32 = arith.constant 0 : i32
    %c0_i32_0 = arith.constant 0 : i32
    %c0_i32_1 = arith.constant 0 : i32
    return %arg0, %c0_i32, %c0_i32_0 : i32, i32, i32
  }
  func.func @transform_8(%arg0: i32) -> (i32, i32, i32) {
    %c0_i32 = arith.constant 0 : i32
    %c0_i32_0 = arith.constant 0 : i32
    %c0_i32_1 = arith.constant 0 : i32
    return %arg0, %c0_i32, %c0_i32_0 : i32, i32, i32
  }
}

module attributes {stable_mosaic.version = 14 : i64} {
  func.func @_final_body(%arg0: i32, %arg1: i32, %arg2: memref<2048x8xf32, #tpu.memory_space<vmem>>, %arg3: memref<2x2048x8xf32, #tpu.memory_space<vmem>>, %arg4: memref<1x8xf32, #tpu.memory_space<vmem>>, %arg5: memref<1x8xf32, #tpu.memory_space<vmem>>, %arg6: memref<1x1xi32, #tpu.memory_space<smem>>, %arg7: memref<8x256xf32, #tpu.memory_space<vmem>>, %arg8: memref<1x256xf32, #tpu.memory_space<vmem>>, %arg9: memref<256x128xf32, #tpu.memory_space<vmem>>, %arg10: memref<1x128xf32, #tpu.memory_space<vmem>>, %arg11: memref<1x128xf32, #tpu.memory_space<vmem>>, %arg12: memref<1x1xf32, #tpu.memory_space<smem>>, %arg13: memref<6x256xf32, #tpu.memory_space<vmem>>, %arg14: memref<1x256xf32, #tpu.memory_space<vmem>>, %arg15: memref<256x128xf32, #tpu.memory_space<vmem>>, %arg16: memref<1x128xf32, #tpu.memory_space<vmem>>, %arg17: memref<1x128xf32, #tpu.memory_space<vmem>>, %arg18: memref<1x1xf32, #tpu.memory_space<smem>>, %arg19: memref<2048xf32, #tpu.memory_space<vmem>>, %arg20: memref<1x1xf32, #tpu.memory_space<smem>>, %arg21: memref<49x2048xf32, #tpu.memory_space<vmem>>, %arg22: memref<1x1xf32, #tpu.memory_space<smem>>, %arg23: memref<1x1xf32, #tpu.memory_space<smem>>, %arg24: memref<1x8xf32, #tpu.memory_space<vmem>>) attributes {dimension_semantics = [#tpu.dimension_semantics<arbitrary>, #tpu.dimension_semantics<arbitrary>], iteration_bounds = array<i64: 2, 49>, scalar_prefetch = 0 : i64, scratch_operands = 4 : i64, tpu.core_type = #tpu.core_type<tc>, window_params = [{transform_indices = @transform_0, window_bounds = array<i64: 2048, 8>}, {transform_indices = @transform_1, window_bounds = array<i64: 2, 2048, 8>}, {pipeline_mode = #tpu.pipeline_mode<synchronous>, transform_indices = @transform_2, window_bounds = array<i64: 1, 8>}, {pipeline_mode = #tpu.pipeline_mode<synchronous>, transform_indices = @transform_3, window_bounds = array<i64: 1, 8>}, {transform_indices = @transform_4, window_bounds = array<i64: 1, 1>}, {pipeline_mode = #tpu.pipeline_mode<synchronous>, transform_indices = @transform_5, window_bounds = array<i64: 8, 256>}, {pipeline_mode = #tpu.pipeline_mode<synchronous>, transform_indices = @transform_6, window_bounds = array<i64: 1, 256>}, {pipeline_mode = #tpu.pipeline_mode<synchronous>, transform_indices = @transform_7, window_bounds = array<i64: 256, 128>}, {pipeline_mode = #tpu.pipeline_mode<synchronous>, transform_indices = @transform_8, window_bounds = array<i64: 1, 128>}, {pipeline_mode = #tpu.pipeline_mode<synchronous>, transform_indices = @transform_9, window_bounds = array<i64: 1, 128>}, {transform_indices = @transform_10, window_bounds = array<i64: 1, 1>}, {pipeline_mode = #tpu.pipeline_mode<synchronous>, transform_indices = @transform_11, window_bounds = array<i64: 6, 256>}, {pipeline_mode = #tpu.pipeline_mode<synchronous>, transform_indices = @transform_12, window_bounds = array<i64: 1, 256>}, {pipeline_mode = #tpu.pipeline_mode<synchronous>, transform_indices = @transform_13, window_bounds = array<i64: 256, 128>}, {pipeline_mode = #tpu.pipeline_mode<synchronous>, transform_indices = @transform_14, window_bounds = array<i64: 1, 128>}, {pipeline_mode = #tpu.pipeline_mode<synchronous>, transform_indices = @transform_15, window_bounds = array<i64: 1, 128>}, {transform_indices = @transform_16, window_bounds = array<i64: 1, 1>}, {transform_indices = @transform_17, window_bounds = array<i64: 2048>}, {transform_indices = @transform_18, window_bounds = array<i64: 1, 1>}]} {
    %eq3A = arith.constant 0 : i32
    %eq3A_0 = arith.cmpi eq, %arg0, %eq3A : i32
    %convert_element_type3A = arith.extui %eq3A_0 : i1 to i32
    %cond3A = arith.constant 0 : i32
    %cond3A_1 = arith.cmpi ne, %convert_element_type3A, %cond3A : i32
    scf.if %cond3A_1 {
      %eq3A_7 = arith.constant 0 : i32
      %eq3A_8 = arith.cmpi eq, %arg1, %eq3A_7 : i32
      %convert_element_type3A_9 = arith.extui %eq3A_8 : i1 to i32
      %cond3A_10 = arith.constant 0 : i32
      %cond3A_11 = arith.cmpi ne, %convert_element_type3A_9, %cond3A_10 : i32
      scf.if %cond3A_11 {
        %swap3A_115 = arith.constant -1.000000e+30 : f32
        %swap3A_116 = arith.constant 0 : index
        %swap3A_117 = arith.constant 0 : index
        %swap3A_118 = memref.load %arg22[%swap3A_116, %swap3A_117] : memref<1x1xf32, #tpu.memory_space<smem>>
        memref.store %swap3A_115, %arg22[%swap3A_116, %swap3A_117] : memref<1x1xf32, #tpu.memory_space<smem>>
        %broadcast_in_dim3A_119 = arith.constant 0.000000e+00 : f32
        %broadcast_in_dim3A_120 = vector.broadcast %broadcast_in_dim3A_119 : f32 to vector<1x8xf32>
        %swap3A_121 = arith.constant 0 : index
        %swap3A_122 = arith.constant 0 : index
        %swap3A_123 = vector.load %arg24[%swap3A_121, %swap3A_122] : memref<1x8xf32, #tpu.memory_space<vmem>>, vector<1x8xf32>
        tpu.vector_store %arg24[%swap3A_121, %swap3A_122], %broadcast_in_dim3A_120 {strides = array<i32>} : memref<1x8xf32, #tpu.memory_space<vmem>>, vector<1x8xf32>,
      } else {
      }
      %get3A = arith.constant 0 : index
      %get3A_12 = arith.constant 0 : index
      %get3A_13 = arith.constant 0 : index
      %get3A_14 = vector.load %arg3[%get3A, %get3A_12, %get3A_13] : memref<2x2048x8xf32, #tpu.memory_space<vmem>>, vector<1x2048x8xf32>
      %get3A_15 = vector.shape_cast %get3A_14 : vector<1x2048x8xf32> to vector<2048x8xf32>
      %get3A_16 = arith.constant 1 : index
      %get3A_17 = arith.constant 0 : index
      %get3A_18 = arith.constant 0 : index
      %get3A_19 = vector.load %arg3[%get3A_16, %get3A_17, %get3A_18] : memref<2x2048x8xf32, #tpu.memory_space<vmem>>, vector<1x2048x8xf32>
      %get3A_20 = vector.shape_cast %get3A_19 : vector<1x2048x8xf32> to vector<2048x8xf32>
      %add3A = arith.addf %get3A_15, %get3A_20 : vector<2048x8xf32>
      %slice3A = vector.extract_strided_slice %add3A {offsets = [0, 5], sizes = [2048, 1], strides = [1, 1]} : vector<2048x8xf32> to vector<2048x1xf32>
      %max3A = arith.constant 1.000000e+00 : f32
      %max3A_21 = vector.broadcast %max3A : f32 to vector<2048x1xf32>
      %max3A_22 = arith.maximumf %slice3A, %max3A_21 : vector<2048x1xf32>
      %div3A = vector.broadcast %max3A_22 : vector<2048x1xf32> to vector<2048x8xf32>
      %div3A_23 = arith.divf %add3A, %div3A : vector<2048x8xf32>
      %get3A_24 = arith.constant 0 : index
      %get3A_25 = arith.constant 0 : index
      %get3A_26 = vector.load %arg4[%get3A_24, %get3A_25] : memref<1x8xf32, #tpu.memory_space<vmem>>, vector<1x8xf32>
      %get3A_27 = arith.constant 0 : index
      %get3A_28 = arith.constant 0 : index
      %get3A_29 = vector.load %arg2[%get3A_27, %get3A_28] : memref<2048x8xf32, #tpu.memory_space<vmem>>, vector<2048x8xf32>
      %mul3A = vector.broadcast %get3A_26 : vector<1x8xf32> to vector<2048x8xf32>
      %mul3A_30 = arith.mulf %get3A_29, %mul3A : vector<2048x8xf32>
      %mul3A_31 = vector.broadcast %get3A_26 : vector<1x8xf32> to vector<2048x8xf32>
      %mul3A_32 = arith.mulf %div3A_23, %mul3A_31 : vector<2048x8xf32>
      %add3A_33 = arith.addf %mul3A_30, %mul3A_32 : vector<2048x8xf32>
      %mul3A_34 = arith.constant 5.000000e-01 : f32
      %mul3A_35 = vector.broadcast %mul3A_34 : f32 to vector<2048x8xf32>
      %mul3A_36 = arith.mulf %add3A_33, %mul3A_35 : vector<2048x8xf32>
      %get3A_37 = arith.constant 0 : index
      %get3A_38 = arith.constant 0 : index
      %get3A_39 = vector.load %arg7[%get3A_37, %get3A_38] : memref<8x256xf32, #tpu.memory_space<vmem>>, vector<8x256xf32>
      %dot_general3A = arith.constant dense<0.000000e+00> : vector<2048x256xf32>
      %dot_general3A_40 = tpu.matmul %mul3A_36, %get3A_39, %dot_general3A {dimension_numbers = #tpu.dot_dimension_numbers<[1], [0], [0], [1], [0, 0, 1, 1], [], []>, transpose_lhs_hint = false} : vector<2048x8xf32>, vector<8x256xf32>, vector<2048x256xf32> -> vector<2048x256xf32>
      %get3A_41 = arith.constant 0 : index
      %get3A_42 = arith.constant 0 : index
      %get3A_43 = vector.load %arg8[%get3A_41, %get3A_42] : memref<1x256xf32, #tpu.memory_space<vmem>>, vector<1x256xf32>
      %add3A_44 = vector.broadcast %get3A_43 : vector<1x256xf32> to vector<2048x256xf32>
      %add3A_45 = arith.addf %dot_general3A_40, %add3A_44 : vector<2048x256xf32>
      %logistic3A = arith.negf %add3A_45 : vector<2048x256xf32>
      %logistic3A_46 = math.exp %logistic3A : vector<2048x256xf32>
      %logistic3A_47 = arith.constant 1.000000e+00 : f32
      %logistic3A_48 = vector.broadcast %logistic3A_47 : f32 to vector<2048x256xf32>
      %logistic3A_49 = arith.addf %logistic3A_48, %logistic3A_46 : vector<2048x256xf32>
      %logistic3A_50 = arith.divf %logistic3A_48, %logistic3A_49 : vector<2048x256xf32>
      %get3A_51 = arith.constant 0 : index
      %get3A_52 = arith.constant 0 : index
      %get3A_53 = vector.load %arg9[%get3A_51, %get3A_52] : memref<256x128xf32, #tpu.memory_space<vmem>>, vector<256x128xf32>
      %dot_general3A_54 = arith.constant dense<0.000000e+00> : vector<2048x128xf32>
      %dot_general3A_55 = tpu.matmul %logistic3A_50, %get3A_53, %dot_general3A_54 {dimension_numbers = #tpu.dot_dimension_numbers<[1], [0], [0], [1], [0, 0, 1, 1], [], []>, transpose_lhs_hint = false} : vector<2048x256xf32>, vector<256x128xf32>, vector<2048x128xf32> -> vector<2048x128xf32>
      %get3A_56 = arith.constant 0 : index
      %get3A_57 = arith.constant 0 : index
      %get3A_58 = vector.load %arg10[%get3A_56, %get3A_57] : memref<1x128xf32, #tpu.memory_space<vmem>>, vector<1x128xf32>
      %add3A_59 = vector.broadcast %get3A_58 : vector<1x128xf32> to vector<2048x128xf32>
      %add3A_60 = arith.addf %dot_general3A_55, %add3A_59 : vector<2048x128xf32>
      %logistic3A_61 = arith.negf %add3A_60 : vector<2048x128xf32>
      %logistic3A_62 = math.exp %logistic3A_61 : vector<2048x128xf32>
      %logistic3A_63 = arith.constant 1.000000e+00 : f32
      %logistic3A_64 = vector.broadcast %logistic3A_63 : f32 to vector<2048x128xf32>
      %logistic3A_65 = arith.addf %logistic3A_64, %logistic3A_62 : vector<2048x128xf32>
      %logistic3A_66 = arith.divf %logistic3A_64, %logistic3A_65 : vector<2048x128xf32>
      %get3A_67 = arith.constant 0 : index
      %get3A_68 = arith.constant 0 : index
      %get3A_69 = vector.load %arg11[%get3A_67, %get3A_68] : memref<1x128xf32, #tpu.memory_space<vmem>>, vector<1x128xf32>
      %mul3A_70 = vector.broadcast %get3A_69 : vector<1x128xf32> to vector<2048x128xf32>
      %mul3A_71 = arith.mulf %logistic3A_66, %mul3A_70 : vector<2048x128xf32>
      %reduce_sum3A = arith.constant dense<0.000000e+00> : vector<2048xf32>
      %reduce_sum3A_72 = vector.multi_reduction <add>, %mul3A_71, %reduce_sum3A [1] : vector<2048x128xf32> to vector<2048xf32>
      %get3A_73 = arith.constant 0 : index
      %get3A_74 = arith.constant 0 : index
      %get3A_75 = memref.load %arg12[%get3A_73, %get3A_74] : memref<1x1xf32, #tpu.memory_space<smem>>
      %add3A_76 = vector.broadcast %get3A_75 : f32 to vector<2048xf32>
      %add3A_77 = arith.addf %reduce_sum3A_72, %add3A_76 : vector<2048xf32>
      %mul3A_78 = arith.constant 2048 : i32
      %mul3A_79 = arith.muli %arg1, %mul3A_78 : i32
      %iota3A = tpu.iota {dimensions = array<i32: 1>} : vector<1x2048xi32>
      %iota3A_80 = vector.shape_cast %iota3A : vector<1x2048xi32> to vector<2048xi32>
      %add3A_81 = vector.broadcast %mul3A_79 : i32 to vector<2048xi32>
      %add3A_82 = arith.addi %add3A_81, %iota3A_80 : vector<2048xi32>
      %ge3A = arith.constant 100000 : i32
      %ge3A_83 = vector.broadcast %ge3A : i32 to vector<2048xi32>
      %ge3A_84 = arith.cmpi sge, %add3A_82, %ge3A_83 : vector<2048xi32>
      %get3A_85 = arith.constant 0 : index
      %get3A_86 = arith.constant 0 : index
      %get3A_87 = memref.load %arg6[%get3A_85, %get3A_86] : memref<1x1xi32, #tpu.memory_space<smem>>
      %eq3A_88 = vector.broadcast %get3A_87 : i32 to vector<2048xi32>
      %eq3A_89 = arith.cmpi eq, %add3A_82, %eq3A_88 : vector<2048xi32>
      %or3A = arith.ori %ge3A_84, %eq3A_89 : vector<2048xi1>
      %jit3A = arith.constant -1.000000e+30 : f32
      %broadcast_in_dim3A = vector.broadcast %jit3A : f32 to vector<2048xf32>
      %select_n3A = arith.select %or3A, %broadcast_in_dim3A, %add3A_77 : vector<2048xi1>, vector<2048xf32>
      %swap3A = arith.index_cast %arg1 : i32 to index
      %swap3A_90 = arith.constant 0 : index
      %swap3A_91 = vector.load %arg21[%swap3A, %swap3A_90] : memref<49x2048xf32, #tpu.memory_space<vmem>>, vector<1x2048xf32>
      %swap3A_92 = vector.shape_cast %swap3A_91 : vector<1x2048xf32> to vector<2048xf32>
      %swap3A_93 = vector.shape_cast %select_n3A : vector<2048xf32> to vector<1x2048xf32>
      tpu.vector_store %arg21[%swap3A, %swap3A_90], %swap3A_93 {strides = array<i32>} : memref<49x2048xf32, #tpu.memory_space<vmem>>, vector<1x2048xf32>,
      %get3A_94 = arith.constant 0 : index
      %get3A_95 = arith.constant 0 : index
      %get3A_96 = memref.load %arg22[%get3A_94, %get3A_95] : memref<1x1xf32, #tpu.memory_space<smem>>
      %reduce_max3A = vector.shape_cast %select_n3A : vector<2048xf32> to vector<1x2048xf32>
      %reduce_max3A_97 = arith.constant dense<0xFF800000> : vector<1xf32>
      %reduce_max3A_98 = vector.multi_reduction <maximumf>, %reduce_max3A, %reduce_max3A_97 [1] : vector<1x2048xf32> to vector<1xf32>
      %reduce_max3A_99 = vector.shape_cast %reduce_max3A_98 : vector<1xf32> to vector<1x1xf32>
      %reduce_max3A_100 = vector.extract %reduce_max3A_99[0, 0] : f32 from vector<1x1xf32>
      %max3A_101 = arith.maximumf %get3A_96, %reduce_max3A_100 : f32
      %swap3A_102 = arith.constant 0 : index
      %swap3A_103 = arith.constant 0 : index
      %swap3A_104 = memref.load %arg22[%swap3A_102, %swap3A_103] : memref<1x1xf32, #tpu.memory_space<smem>>
      memref.store %max3A_101, %arg22[%swap3A_102, %swap3A_103] : memref<1x1xf32, #tpu.memory_space<smem>>
      %get3A_105 = arith.constant 0 : index
      %get3A_106 = arith.constant 0 : index
      %get3A_107 = vector.load %arg24[%get3A_105, %get3A_106] : memref<1x8xf32, #tpu.memory_space<vmem>>, vector<1x8xf32>
      %reduce_sum3A_108 = arith.constant dense<0.000000e+00> : vector<8xf32>
      %reduce_sum3A_109 = vector.multi_reduction <add>, %div3A_23, %reduce_sum3A_108 [0] : vector<2048x8xf32> to vector<8xf32>
      %broadcast_in_dim3A_110 = vector.shape_cast %reduce_sum3A_109 : vector<8xf32> to vector<1x8xf32>
      %add3A_111 = arith.addf %get3A_107, %broadcast_in_dim3A_110 : vector<1x8xf32>
      %swap3A_112 = arith.constant 0 : index
      %swap3A_113 = arith.constant 0 : index
      %swap3A_114 = vector.load %arg24[%swap3A_112, %swap3A_113] : memref<1x8xf32, #tpu.memory_space<vmem>>, vector<1x8xf32>
      tpu.vector_store %arg24[%swap3A_112, %swap3A_113], %add3A_111 {strides = array<i32>} : memref<1x8xf32, #tpu.memory_space<vmem>>, vector<1x8xf32>,
    } else {
    }
    %eq3A_2 = arith.constant 1 : i32
    %eq3A_3 = arith.cmpi eq, %arg0, %eq3A_2 : i32
    %convert_element_type3A_4 = arith.extui %eq3A_3 : i1 to i32
    %cond3A_5 = arith.constant 0 : i32
    %cond3A_6 = arith.cmpi ne, %convert_element_type3A_4, %cond3A_5 : i32
    scf.if %cond3A_6 {
      %get3A = arith.constant 0 : index
      %get3A_7 = arith.constant 0 : index
      %get3A_8 = memref.load %arg22[%get3A, %get3A_7] : memref<1x1xf32, #tpu.memory_space<smem>>
      %eq3A_9 = arith.constant 0 : i32
      %eq3A_10 = arith.cmpi eq, %arg1, %eq3A_9 : i32
      %convert_element_type3A_11 = arith.extui %eq3A_10 : i1 to i32
      %cond3A_12 = arith.constant 0 : i32
      %cond3A_13 = arith.cmpi ne, %convert_element_type3A_11, %cond3A_12 : i32
      scf.if %cond3A_13 {
        %scan3A = arith.constant 0.000000e+00 : f32
        %scan3A_30 = arith.constant 0 : i32
        %scan3A_31 = arith.constant 49 : i32
        %scan3A_32 = arith.addi %scan3A_30, %scan3A_31 : i32
        %scan3A_33 = arith.constant 1 : i32
        %scan3A_34 = scf.for %scan3A_39 = %scan3A_30 to %scan3A_32 step %scan3A_33 iter_args(%scan3A_40 = %scan3A) -> (f32)  : i32 {
          %get3A_41 = arith.index_cast %scan3A_39 : i32 to index
          %get3A_42 = arith.constant 0 : index
          %get3A_43 = vector.load %arg21[%get3A_41, %get3A_42] : memref<49x2048xf32, #tpu.memory_space<vmem>>, vector<1x2048xf32>
          %get3A_44 = vector.shape_cast %get3A_43 : vector<1x2048xf32> to vector<2048xf32>
          %sub3A_45 = vector.broadcast %get3A_8 : f32 to vector<2048xf32>
          %sub3A_46 = arith.subf %get3A_44, %sub3A_45 : vector<2048xf32>
          %exp3A_47 = math.exp %sub3A_46 : vector<2048xf32>
          %reduce_sum3A = vector.shape_cast %exp3A_47 : vector<2048xf32> to vector<1x2048xf32>
          %reduce_sum3A_48 = arith.constant dense<0.000000e+00> : vector<1xf32>
          %reduce_sum3A_49 = vector.multi_reduction <add>, %reduce_sum3A, %reduce_sum3A_48 [1] : vector<1x2048xf32> to vector<1xf32>
          %reduce_sum3A_50 = vector.shape_cast %reduce_sum3A_49 : vector<1xf32> to vector<1x1xf32>
          %reduce_sum3A_51 = vector.extract %reduce_sum3A_50[0, 0] : f32 from vector<1x1xf32>
          %add3A = arith.addf %scan3A_40, %reduce_sum3A_51 : f32
          scf.yield %add3A : f32
        }
        %scan3A_35 = arith.constant 49 : i32
        %swap3A_36 = arith.constant 0 : index
        %swap3A_37 = arith.constant 0 : index
        %swap3A_38 = memref.load %arg23[%swap3A_36, %swap3A_37] : memref<1x1xf32, #tpu.memory_space<smem>>
        memref.store %scan3A_34, %arg23[%swap3A_36, %swap3A_37] : memref<1x1xf32, #tpu.memory_space<smem>>
      } else {
      }
      %get3A_14 = arith.index_cast %arg1 : i32 to index
      %get3A_15 = arith.constant 0 : index
      %get3A_16 = vector.load %arg21[%get3A_14, %get3A_15] : memref<49x2048xf32, #tpu.memory_space<vmem>>, vector<1x2048xf32>
      %get3A_17 = vector.shape_cast %get3A_16 : vector<1x2048xf32> to vector<2048xf32>
      %sub3A = vector.broadcast %get3A_8 : f32 to vector<2048xf32>
      %sub3A_18 = arith.subf %get3A_17, %sub3A : vector<2048xf32>
      %exp3A = math.exp %sub3A_18 : vector<2048xf32>
      %get3A_19 = arith.constant 0 : index
      %get3A_20 = arith.constant 0 : index
      %get3A_21 = memref.load %arg23[%get3A_19, %get3A_20] : memref<1x1xf32, #tpu.memory_space<smem>>
      %div3A = arith.constant 1.000000e+00 : f32
      %div3A_22 = arith.divf %div3A, %get3A_21 : f32
      %mul3A = vector.broadcast %div3A_22 : f32 to vector<2048xf32>
      %mul3A_23 = arith.mulf %exp3A, %mul3A : vector<2048xf32>
      %swap3A = arith.constant 0 : index
      %swap3A_24 = vector.load %arg19[%swap3A] : memref<2048xf32, #tpu.memory_space<vmem>>, vector<2048xf32>
      tpu.vector_store %arg19[%swap3A], %mul3A_23 {strides = array<i32>} : memref<2048xf32, #tpu.memory_space<vmem>>, vector<2048xf32>,
      %eq3A_25 = arith.constant 48 : i32
      %eq3A_26 = arith.cmpi eq, %arg1, %eq3A_25 : i32
      %convert_element_type3A_27 = arith.extui %eq3A_26 : i1 to i32
      %cond3A_28 = arith.constant 0 : i32
      %cond3A_29 = arith.cmpi ne, %convert_element_type3A_27, %cond3A_28 : i32
      scf.if %cond3A_29 {
        %get3A_30 = arith.constant 0 : index
        %get3A_31 = arith.constant 0 : index
        %get3A_32 = vector.load %arg4[%get3A_30, %get3A_31] : memref<1x8xf32, #tpu.memory_space<vmem>>, vector<1x8xf32>
        %get3A_33 = arith.constant 0 : index
        %get3A_34 = arith.constant 0 : index
        %get3A_35 = vector.load %arg5[%get3A_33, %get3A_34] : memref<1x8xf32, #tpu.memory_space<vmem>>, vector<1x8xf32>
        %mul3A_36 = arith.mulf %get3A_35, %get3A_32 : vector<1x8xf32>
        %get3A_37 = arith.constant 0 : index
        %get3A_38 = arith.constant 0 : index
        %get3A_39 = vector.load %arg24[%get3A_37, %get3A_38] : memref<1x8xf32, #tpu.memory_space<vmem>>, vector<1x8xf32>
        %mul3A_40 = arith.mulf %get3A_39, %get3A_32 : vector<1x8xf32>
        %slice3A = vector.extract_strided_slice %mul3A_36 {offsets = [0, 0], sizes = [1, 1], strides = [1, 1]} : vector<1x8xf32> to vector<1x1xf32>
        %slice3A_41 = vector.extract_strided_slice %mul3A_36 {offsets = [0, 1], sizes = [1, 1], strides = [1, 1]} : vector<1x8xf32> to vector<1x1xf32>
        %slice3A_42 = vector.extract_strided_slice %mul3A_36 {offsets = [0, 3], sizes = [1, 1], strides = [1, 1]} : vector<1x8xf32> to vector<1x1xf32>
        %slice3A_43 = vector.extract_strided_slice %mul3A_40 {offsets = [0, 0], sizes = [1, 1], strides = [1, 1]} : vector<1x8xf32> to vector<1x1xf32>
        %slice3A_44 = vector.extract_strided_slice %mul3A_40 {offsets = [0, 1], sizes = [1, 1], strides = [1, 1]} : vector<1x8xf32> to vector<1x1xf32>
        %slice3A_45 = vector.extract_strided_slice %mul3A_40 {offsets = [0, 3], sizes = [1, 1], strides = [1, 1]} : vector<1x8xf32> to vector<1x1xf32>
        %concatenate3A = tpu.concatenate %slice3A, %slice3A_41, %slice3A_42, %slice3A_43, %slice3A_44, %slice3A_45 in 1 : vector<1x1xf32>, vector<1x1xf32>, vector<1x1xf32>, vector<1x1xf32>, vector<1x1xf32>, vector<1x1xf32> -> vector<1x6xf32>
        %mul3A_46 = arith.constant 9.99999974E-6 : f32
        %mul3A_47 = vector.broadcast %mul3A_46 : f32 to vector<1x6xf32>
        %mul3A_48 = arith.mulf %concatenate3A, %mul3A_47 : vector<1x6xf32>
        %get3A_49 = arith.constant 0 : index
        %get3A_50 = arith.constant 0 : index
        %get3A_51 = vector.load %arg13[%get3A_49, %get3A_50] : memref<6x256xf32, #tpu.memory_space<vmem>>, vector<6x256xf32>
        %dot_general3A = arith.constant dense<0.000000e+00> : vector<1x256xf32>
        %dot_general3A_52 = tpu.matmul %mul3A_48, %get3A_51, %dot_general3A {dimension_numbers = #tpu.dot_dimension_numbers<[1], [0], [0], [1], [0, 0, 1, 1], [], []>, transpose_lhs_hint = false} : vector<1x6xf32>, vector<6x256xf32>, vector<1x256xf32> -> vector<1x256xf32>
        %get3A_53 = arith.constant 0 : index
        %get3A_54 = arith.constant 0 : index
        %get3A_55 = vector.load %arg14[%get3A_53, %get3A_54] : memref<1x256xf32, #tpu.memory_space<vmem>>, vector<1x256xf32>
        %add3A = arith.addf %dot_general3A_52, %get3A_55 : vector<1x256xf32>
        %logistic3A = arith.negf %add3A : vector<1x256xf32>
        %logistic3A_56 = math.exp %logistic3A : vector<1x256xf32>
        %logistic3A_57 = arith.constant 1.000000e+00 : f32
        %logistic3A_58 = vector.broadcast %logistic3A_57 : f32 to vector<1x256xf32>
        %logistic3A_59 = arith.addf %logistic3A_58, %logistic3A_56 : vector<1x256xf32>
        %logistic3A_60 = arith.divf %logistic3A_58, %logistic3A_59 : vector<1x256xf32>
        %get3A_61 = arith.constant 0 : index
        %get3A_62 = arith.constant 0 : index
        %get3A_63 = vector.load %arg15[%get3A_61, %get3A_62] : memref<256x128xf32, #tpu.memory_space<vmem>>, vector<256x128xf32>
        %dot_general3A_64 = arith.constant dense<0.000000e+00> : vector<1x128xf32>
        %dot_general3A_65 = tpu.matmul %logistic3A_60, %get3A_63, %dot_general3A_64 {dimension_numbers = #tpu.dot_dimension_numbers<[1], [0], [0], [1], [0, 0, 1, 1], [], []>, transpose_lhs_hint = false} : vector<1x256xf32>, vector<256x128xf32>, vector<1x128xf32> -> vector<1x128xf32>
        %get3A_66 = arith.constant 0 : index
        %get3A_67 = arith.constant 0 : index
        %get3A_68 = vector.load %arg16[%get3A_66, %get3A_67] : memref<1x128xf32, #tpu.memory_space<vmem>>, vector<1x128xf32>
        %add3A_69 = arith.addf %dot_general3A_65, %get3A_68 : vector<1x128xf32>
        %logistic3A_70 = arith.negf %add3A_69 : vector<1x128xf32>
        %logistic3A_71 = math.exp %logistic3A_70 : vector<1x128xf32>
        %logistic3A_72 = arith.constant 1.000000e+00 : f32
        %logistic3A_73 = vector.broadcast %logistic3A_72 : f32 to vector<1x128xf32>
        %logistic3A_74 = arith.addf %logistic3A_73, %logistic3A_71 : vector<1x128xf32>
        %logistic3A_75 = arith.divf %logistic3A_73, %logistic3A_74 : vector<1x128xf32>
        %get3A_76 = arith.constant 0 : index
        %get3A_77 = arith.constant 0 : index
        %get3A_78 = vector.load %arg17[%get3A_76, %get3A_77] : memref<1x128xf32, #tpu.memory_space<vmem>>, vector<1x128xf32>
        %mul3A_79 = arith.mulf %logistic3A_75, %get3A_78 : vector<1x128xf32>
        %reduce_sum3A = vector.shape_cast %mul3A_79 : vector<1x128xf32> to vector<1x1x128xf32>
        %reduce_sum3A_80 = arith.constant dense<0.000000e+00> : vector<1xf32>
        %reduce_sum3A_81 = vector.multi_reduction <add>, %reduce_sum3A, %reduce_sum3A_80 [1, 2] : vector<1x1x128xf32> to vector<1xf32>
        %reduce_sum3A_82 = vector.shape_cast %reduce_sum3A_81 : vector<1xf32> to vector<1x1x1xf32>
        %reduce_sum3A_83 = vector.extract %reduce_sum3A_82[0, 0, 0] : f32 from vector<1x1x1xf32>
        %get3A_84 = arith.constant 0 : index
        %get3A_85 = arith.constant 0 : index
        %get3A_86 = memref.load %arg18[%get3A_84, %get3A_85] : memref<1x1xf32, #tpu.memory_space<smem>>
        %add3A_87 = arith.addf %reduce_sum3A_83, %get3A_86 : f32
        %swap3A_88 = arith.constant 0 : index
        %swap3A_89 = arith.constant 0 : index
        %swap3A_90 = memref.load %arg20[%swap3A_88, %swap3A_89] : memref<1x1xf32, #tpu.memory_space<smem>>
        memref.store %add3A_87, %arg20[%swap3A_88, %swap3A_89] : memref<1x1xf32, #tpu.memory_space<smem>>
      } else {
      }
    } else {
    }
    return
  }
  func.func @transform_0(%arg0: i32, %arg1: i32) -> (i32, i32) {
    %c0_i32 = arith.constant 0 : i32
    %c0_i32_0 = arith.constant 0 : i32
    return %arg1, %c0_i32 : i32, i32
  }
  func.func @transform_1(%arg0: i32, %arg1: i32) -> (i32, i32, i32) {
    %c0_i32 = arith.constant 0 : i32
    %c0_i32_0 = arith.constant 0 : i32
    %c0_i32_1 = arith.constant 0 : i32
    return %c0_i32, %arg1, %c0_i32_0 : i32, i32, i32
  }
  func.func @transform_2(%arg0: i32, %arg1: i32) -> (i32, i32) {
    %c0_i32 = arith.constant 0 : i32
    %c0_i32_0 = arith.constant 0 : i32
    %c0_i32_1 = arith.constant 0 : i32
    return %c0_i32, %c0_i32_0 : i32, i32
  }
  func.func @transform_3(%arg0: i32, %arg1: i32) -> (i32, i32) {
    %c0_i32 = arith.constant 0 : i32
    %c0_i32_0 = arith.constant 0 : i32
    %c0_i32_1 = arith.constant 0 : i32
    return %c0_i32, %c0_i32_0 : i32, i32
  }
  func.func @transform_4(%arg0: i32, %arg1: i32) -> (i32, i32) {
    %c0_i32 = arith.constant 0 : i32
    %c0_i32_0 = arith.constant 0 : i32
    %c0_i32_1 = arith.constant 0 : i32
    return %c0_i32, %c0_i32_0 : i32, i32
  }
  func.func @transform_5(%arg0: i32, %arg1: i32) -> (i32, i32) {
    %c0_i32 = arith.constant 0 : i32
    %c0_i32_0 = arith.constant 0 : i32
    %c0_i32_1 = arith.constant 0 : i32
    return %c0_i32, %c0_i32_0 : i32, i32
  }
  func.func @transform_6(%arg0: i32, %arg1: i32) -> (i32, i32) {
    %c0_i32 = arith.constant 0 : i32
    %c0_i32_0 = arith.constant 0 : i32
    %c0_i32_1 = arith.constant 0 : i32
    return %c0_i32, %c0_i32_0 : i32, i32
  }
  func.func @transform_7(%arg0: i32, %arg1: i32) -> (i32, i32) {
    %c0_i32 = arith.constant 0 : i32
    %c0_i32_0 = arith.constant 0 : i32
    %c0_i32_1 = arith.constant 0 : i32
    return %c0_i32, %c0_i32_0 : i32, i32
  }
  func.func @transform_8(%arg0: i32, %arg1: i32) -> (i32, i32) {
    %c0_i32 = arith.constant 0 : i32
    %c0_i32_0 = arith.constant 0 : i32
    %c0_i32_1 = arith.constant 0 : i32
    return %c0_i32, %c0_i32_0 : i32, i32
  }
  func.func @transform_9(%arg0: i32, %arg1: i32) -> (i32, i32) {
    %c0_i32 = arith.constant 0 : i32
    %c0_i32_0 = arith.constant 0 : i32
    %c0_i32_1 = arith.constant 0 : i32
    return %c0_i32, %c0_i32_0 : i32, i32
  }
  func.func @transform_10(%arg0: i32, %arg1: i32) -> (i32, i32) {
    %c0_i32 = arith.constant 0 : i32
    %c0_i32_0 = arith.constant 0 : i32
    %c0_i32_1 = arith.constant 0 : i32
    return %c0_i32, %c0_i32_0 : i32, i32
  }
  func.func @transform_11(%arg0: i32, %arg1: i32) -> (i32, i32) {
    %c0_i32 = arith.constant 0 : i32
    %c0_i32_0 = arith.constant 0 : i32
    %c0_i32_1 = arith.constant 0 : i32
    return %c0_i32, %c0_i32_0 : i32, i32
  }
  func.func @transform_12(%arg0: i32, %arg1: i32) -> (i32, i32) {
    %c0_i32 = arith.constant 0 : i32
    %c0_i32_0 = arith.constant 0 : i32
    %c0_i32_1 = arith.constant 0 : i32
    return %c0_i32, %c0_i32_0 : i32, i32
  }
  func.func @transform_13(%arg0: i32, %arg1: i32) -> (i32, i32) {
    %c0_i32 = arith.constant 0 : i32
    %c0_i32_0 = arith.constant 0 : i32
    %c0_i32_1 = arith.constant 0 : i32
    return %c0_i32, %c0_i32_0 : i32, i32
  }
  func.func @transform_14(%arg0: i32, %arg1: i32) -> (i32, i32) {
    %c0_i32 = arith.constant 0 : i32
    %c0_i32_0 = arith.constant 0 : i32
    %c0_i32_1 = arith.constant 0 : i32
    return %c0_i32, %c0_i32_0 : i32, i32
  }
  func.func @transform_15(%arg0: i32, %arg1: i32) -> (i32, i32) {
    %c0_i32 = arith.constant 0 : i32
    %c0_i32_0 = arith.constant 0 : i32
    %c0_i32_1 = arith.constant 0 : i32
    return %c0_i32, %c0_i32_0 : i32, i32
  }
  func.func @transform_16(%arg0: i32, %arg1: i32) -> (i32, i32) {
    %c0_i32 = arith.constant 0 : i32
    %c0_i32_0 = arith.constant 0 : i32
    %c0_i32_1 = arith.constant 0 : i32
    return %c0_i32, %c0_i32_0 : i32, i32
  }
  func.func @transform_17(%arg0: i32, %arg1: i32) -> i32 {
    %c0_i32 = arith.constant 0 : i32
    return %arg1 : i32
  }
  func.func @transform_18(%arg0: i32, %arg1: i32) -> (i32, i32) {
    %c0_i32 = arith.constant 0 : i32
    %c0_i32_0 = arith.constant 0 : i32
    %c0_i32_1 = arith.constant 0 : i32
    return %c0_i32, %c0_i32_0 : i32, i32
  }
}

</mosaic_0001>

<sc_bundles>
// kernel: kernel.5.cloned.1.call-start
scs
__scs_entry_jumppad:
0x0: {  	(pc) =	sbr.rel $0x88, $3  }
0x1: {  	(tag) =	ssettag $0x0;
	lr =	simm.s32 $0x1  }
0x2: {  	[smem:$0x3F8D] =	sst lr;
	_ =	strace $0xD0000000  }
0x3: {  	_ = 	snop  }
0x4: {  	_ = 	snop  }
0x5: {  	_ = 	snop  }
0x6: {  	_ = 	snop  }
0x7: {  	_ = 	snop  }
__scs_overlays_trampoline_lowered:
0x8: {  	[smem:$0x3F9C] =	sst s0  }
0x9: {  	[smem:$0x3F9D] =	sst s1  }
0xa: {  	[smem:$0x3F9E] =	sst s2  }
0xb: {  	[smem:$0x3F9F] =	sst s3  }
0xc: {  	[smem:$0x3FA0] =	sst s4  }
0xd: {  	[smem:$0x3FA1] =	sst s5  }
0xe: {  	[smem:$0x3FA2] =	sst s6  }
0xf: {  	[smem:$0x3FA3] =	sst s7  }
0x10: {  	[smem:$0x3FA4] =	sst s8  }
0x11: {  	[smem:$0x3FA5] =	sst s9;
	s0 =	simm.s32 @!p0 $0x0  }
0x12: {  	s1 =	sld [smem:$0x3F8B];
	s0 =	simm.s32 @p0 $0x1  }
0x13: {  	[smem:$0x3FA6] =	sst s0;
	s0 =	simm.s32 @!p1 $0x0  }
0x14: {  	s2 =	sld [smem:$0x3F8A];
	s0 =	simm.s32 @p1 $0x1  }
0x15: {  	[smem:$0x3FA7] =	sst s0;
	s0 =	simm.s32 @!p2 $0x0  }
0x16: {  	s3 =	sld [smem:$0x3FDB];
	s0 =	simm.s32 @p2 $0x1  }
0x17: {  	s4 =	simm.s32 $0x1BF5;
	[smem:$0x3FA9] =	sst s0  }
0x18: {  	s0 =	sld [smem:$0x3F8C];
	_ =	swait.ge [sflag:s4], $0x0  }
0x19: {  	s7 =	sld [smem:$0x3F8D]  }
0x1a: {  	s8 =	sadd.s32 $0xFFFFE003, lr  }
0x1b: {  	s9 =	sadd.s32 $0xFFFFFEF7, lr;
	s5 =	simm.s32 $0xFFFFFFFF;
	p2 =	slt.u32 s8, $0xFFFFF086  }
0x1c: {  	p1 =	slt.u32 s9, $0xF7A;
	s5 =	simm.s32 @!p2 $0x0  }
0x1d: {  	s5 =	simm.s32 @p1 $0x1;
	p0 =	seq.s32 s7, s2  }
0x1e: {  	s7 =	smul.u32 @!p0 $0xF7A, s2;
	p2 =	seq.s32 @!p0 s5, $0x0  }
0x1f: {  	s9 =	smul.u32 $0xF7A, s1;
	s8 =	simm.s32 @!p0 $0x1BF5;
	p2 =	por !p2, p0  }
0x20: {  	[sflag:s8] =	ssyncset.s32 @!p0 $0xFFFFF086;
	s6 =	sadd.s32 @!p0 s3, s7;
	s7 =	simm.s32 @!p0 $0x108  }
0x21: {  	s3 =	sadd.s32 s3, s9;
	s6 =	sadd.s32 @!p0 $0x88, s6;
	s7 =	simm.s32 @p2 $0x1082  }
0x22: {  	[simem:s7], [sflag:s8] =	dma.local @!p0 [hbm:s6], $0xF7A  }
0x23: {  	s9 =	sor.u32 $0xD0000000, s2;
	s6 =	simm.s32 $0x108;
	_ =	swait.ge @!p0 [sflag:s8], $0x0  }
0x24: {  	s3 =	sadd.s32 $0x88, s3;
	s6 =	simm.s32 @!p1 $0x1082;
	[sflag:s4] =	ssyncset.s32 $0xFFFFF086  }
0x25: {  	[simem:s6], [sflag:s4] =	dma.local [hbm:s3], $0xF7A  }
0x26: {  	[smem:$0x3F8D] =	sst s1;
	(tag) =	ssettag s2;
	_ =	strace s9  }
0x27: {  	s1 =	sld [smem:$0x3F9D]  }
0x28: {  	s2 =	sld [smem:$0x3F9E]  }
0x29: {  	s4 =	sld [smem:$0x3FA0]  }
0x2a: {  	p0 =	seq.s32 s5, $0x0;
	s5 =	sld [smem:$0x3FA1]  }
0x2b: {  	s6 =	sld [smem:$0x3FA2]  }
0x2c: {  	s7 =	sld [smem:$0x3FA3]  }
0x2d: {  	s3 =	simm.s32 $0x108;
	s8 =	sld [smem:$0x3FA4]  }
0x2e: {  	s3 =	simm.s32 @!p0 $0x1082;
	s9 =	sld [smem:$0x3FA5]  }
0x2f: {  	lr =	sadd.s32 s0, s3;
	s0 =	sld [smem:$0x3F9C]  }
0x30: {  	s3 =	sld [smem:$0x3F9F]  }
0x31: {  	[smem:$0x3FA8] =	sst s10  }
0x32: {  	s10 =	sld [smem:$0x3FA6];
	_ =	sdelay $0x3  }
0x33: {  	p0 =	seq.s32 s10, $0x1;
	s10 =	sld [smem:$0x3FA8];
	_ =	sdelay $0x3  }
0x34: {  	[smem:$0x3FA8] =	sst s10  }
0x35: {  	s10 =	sld [smem:$0x3FA7];
	_ =	sdelay $0x3  }
0x36: {  	p1 =	seq.s32 s10, $0x1;
	s10 =	sld [smem:$0x3FA8];
	_ =	sdelay $0x3  }
0x37: {  	[smem:$0x3FA8] =	sst s10  }
0x38: {  	s10 =	sld [smem:$0x3FA9]  }
0x39: {  	_ = 	snop;
	(pc) =	sbr.ind lr, $3  }
0x3a: {  	_ = 	snop  }
0x3b: {  	_ = 	snop  }
0x3c: {  	p2 =	seq.s32 s10, $0x1;
	s10 =	sld [smem:$0x3FA8]  }
0x3d: {  	_ =	shalt  }
0x3e: {  	_ =	shalt  }
0x3f: {  	_ =	shalt  }
0x40: {  	_ =	shalt  }
0x41: {  	_ =	shalt  }
0x42: {  	_ =	shalt  }
0x43: {  	_ =	shalt  }
0x44: {  	_ =	shalt  }
0x45: {  	_ =	shalt  }
0x46: {  	_ =	shalt  }
0x47: {  	_ =	shalt  }
0x48: {  	_ =	shalt  }
0x49: {  	_ =	shalt  }
0x4a: {  	_ =	shalt  }
0x4b: {  	_ =	shalt  }
0x4c: {  	_ =	shalt  }
0x4d: {  	_ =	shalt  }
0x4e: {  	_ =	shalt  }
0x4f: {  	_ =	shalt  }
0x50: {  	_ =	shalt  }
0x51: {  	_ =	shalt  }
0x52: {  	_ =	shalt  }
0x53: {  	_ =	shalt  }
0x54: {  	_ =	shalt  }
0x55: {  	_ =	shalt  }
0x56: {  	_ =	shalt  }
0x57: {  	_ =	shalt  }
0x58: {  	_ =	shalt  }
0x59: {  	_ =	shalt  }
0x5a: {  	_ =	shalt  }
0x5b: {  	_ =	shalt  }
0x5c: {  	_ =	shalt  }
0x5d: {  	_ =	shalt  }
0x5e: {  	_ =	shalt  }
0x5f: {  	_ =	shalt  }
0x60: {  	_ =	shalt  }
0x61: {  	_ =	shalt  }
0x62: {  	_ =	shalt  }
0x63: {  	_ =	shalt  }
0x64: {  	_ =	shalt  }
0x65: {  	_ =	shalt  }
0x66: {  	_ =	shalt  }
0x67: {  	_ =	shalt  }
0x68: {  	_ =	shalt  }
0x69: {  	_ =	shalt  }
0x6a: {  	_ =	shalt  }
0x6b: {  	_ =	shalt  }
0x6c: {  	_ =	shalt  }
0x6d: {  	_ =	shalt  }
0x6e: {  	_ =	shalt  }
0x6f: {  	_ =	shalt  }
0x70: {  	_ =	shalt  }
0x71: {  	_ =	shalt  }
0x72: {  	_ =	shalt  }
0x73: {  	_ =	shalt  }
0x74: {  	_ =	shalt  }
0x75: {  	_ =	shalt  }
0x76: {  	_ =	shalt  }
0x77: {  	_ =	shalt  }
0x78: {  	_ =	shalt  }
0x79: {  	_ =	shalt  }
0x7a: {  	_ =	shalt  }
0x7b: {  	_ =	shalt  }
0x7c: {  	_ =	shalt  }
0x7d: {  	_ =	shalt  }
0x7e: {  	_ =	shalt  }
0x7f: {  	_ =	shalt  }
0x80: {  	_ =	shalt  }
0x81: {  	_ =	shalt  }
0x82: {  	_ =	shalt  }
0x83: {  	_ =	shalt  }
0x84: {  	_ =	shalt  }
0x85: {  	_ =	shalt  }
0x86: {  	_ =	shalt  }
0x87: {  	_ =	shalt  }
.Lfunc_end0:
.L_simem_size_0:
called_computation_lowered:
.L_overlay_start_0:
0x88: {  	s2 =	sld [smem:$0x3FD9]  }
0x89: {  	s3 =	sld [smem:$0x3FFE];
	_ =	sdelay $0x1  }
0x8a: {  	s1 =	srdreg.scid  }
0x8b: {  	s0 =	sand.u32 $0x1, s1  }
0x8c: {  	s16 =	sshll.u32 s0, $0xA;
	s2 =	sadd.s32 s3, s2  }
0x8d: {  	s2 =	sadd.s32 s2, s16  }
0x8e: {  	[smem:$0x3FB4] =	sst s2  }
0x8f: {  	_ = 	snop  }
0x90: {  	(tm) =	ssettm $0x1  }
0x91: {  	s17 =	sld [smem:$0x3FFB];
	_ =	sdelay $0x3  }
0x92: {  	_ =	strace s17  }
0x93: {  	s2 =	sld [smem:$0x3FFC];
	_ =	sdelay $0x3  }
0x94: {  	_ =	strace s2  }
0x95: {  	s2 =	sld [smem:$0x3FFD];
	_ =	sdelay $0x3  }
0x96: {  	_ =	strace s2  }
0x97: {  	_ =	strace $0x8FFFFFFF  }
0x98: {  	s18 =	sld [smem:$0x3FDB];
	_ =	sdelay $0x1  }
0x99: {  	s19 =	simm.s32 $_scs_section_size  }
0x9a: {  	s4 =	simm.s32 $_size__tile_overlayer_lowered;
	s5 =	simm.s32 $_tile_overlayer_lowered  }
0x9b: {  	s22 =	simm.s32 $0x1BFF;
	s21 =	sshll.u32 s5, $0x1;
	s2 =	sadd.s32 s19, s18  }
0x9c: {  	s6 =	simm.s32 $0x0;
	s20 =	sshll.u32 s4, $0x1;
	s4 =	sadd.s32 s21, s2  }
0x9d: {  	[timem:s6], [sflag:s22] =	dma.local [hbm:s4], s20  }
0x9e: {  	_ =	swait.ge [sflag:s22], s20  }
0x9f: {  	s3 =	ssub.s32 $0x0, s20;
	[sflag:s22] =	ssyncset.done $0x0  }
0xa0: {  	[sflag:s22] =	ssyncadd.s32 s3;
	_ =	sdelay $0x1  }
0xa1: {  	s23 =	simm.s32 $0x1B8B  }
0xa2: {  	_ =	swait.ge [sflag:s23], $0x1  }
0xa3: {  	[sflag:s23] =	ssyncset.done $0x0  }
0xa4: {  	s25 =	simm.s32 $0x1B8E;
	s24 =	sld [smem:$0x3FFE];
	[sflag:s23] =	ssyncadd.s32 $0xFFFFFFFF  }
0xa5: {  	s26 =	simm.s32 $execute0_lowered;
	[smem:$0x3FD2] =	sst s25  }
0xa6: {  	s4 =	sshll.u32 s26, $0x1;
	_ =	strace $0x80000046;
	[dreg:$0x1] =	wrdreg $0xFFFFFFFF  }
0xa7: {  	s28 =	simm.s32 $_size_execute0_lowered;
	s2 =	sadd.s32 s2, s4;
	[dreg:$0x0] =	wrdreg $0x0  }
0xa8: {  	s4 =	sshll.u32 s28, $0x1;
	[dreg:$0x2] =	wrdreg s2  }
0xa9: {  	[dreg:$0x3] =	wrdreg s4  }
0xaa: {  	[dreg:$0x4] =	wrdreg $0xC0  }
0xab: {  	_ =	task [dreg:s6], $0x5FFFF  }
0xac: {  	[dreg:$0x1] =	wrdreg $0xFFFFFFFF  }
0xad: {  	[dreg:$0x0] =	wrdreg $0x60  }
0xae: {  	[dreg:$0x2] =	wrdreg s24  }
0xaf: {  	[dreg:$0x3] =	wrdreg $0x0  }
0xb0: {  	[dreg:$0x4] =	wrdreg $0xC4000  }
0xb1: {  	[dreg:$0x5] =	wrdreg $0x9  }
0xb2: {  	_ =	task.clear_ibuf [dreg:s6], $0x6FFFF;
	_ =	strace $0x90000046  }
0xb3: {  	s29 =	simm.s32 $0x9;
	_ =	strace $0x80000048  }
0xb4: {  	_ =	swait.ge [sflag:s29], $0x1  }
0xb5: {  	[sflag:s29] =	ssyncadd.s32 $0xFFFFFFFF  }
0xb6: {  	_ =	strace $0x90000048  }
0xb7: {  	_ =	sfence  }
0xb8: {  	s30 =	sld [smem:$0x0];
	_ =	sdelay $0x2  }
0xb9: {  	s31 =	sshll.u32 s1, $0xD;
	s1 =	sshrl.u32 s1, $0x2  }
0xba: {  	s3 =	sand.u32 $0x4000, s31;
	s1 =	sadd.s32 s1, s30  }
0xbb: {  	s0 =	sor.u32 s3, s0;
	s1 =	sshll.u32 s1, $0x11  }
0xbc: {  	s0 =	sor.u32 s1, s0  }
0xbd: {  	s0 =	sadd.s32 $0x8F2B, s0  }
0xbe: {  	[sflag:s0] =	ssyncadd.remote.s32 $0x1  }
0xbf: {  	_ =	sfence.sel $0xFFFF  }
0xc0: {  	[dreg:$0x0] =	wrdreg $0xFFFFFFFF;
	(pc) =	sbr.abs _section_cstart, $3  }
0xc1: {  	[dreg:$0x1] =	wrdreg $0xFFFFFFFF  }
0xc2: {  	_ =	task.clear_ibuf [dreg:s6], $0x2FFFF;
	_ =	strace $0x9FFFFFFF  }
0xc3: {  	(tm) =	ssettm $0x7FFFFFFF  }
tec
execute0_lowered:
.L_overlay_start_1:
0x0: {  	(tag) =	ssettag $0x1  }
0x1: {  	s0 =	rddreg [dreg:$0x0]  }
0x2: {  	s2 =	rddreg [dreg:$0x1]  }
0x3: {  	s3 =	rddreg [dreg:$0x2];
	s1 =	srdreg.scid  }
0x4: {  	s13 =	stileid.u32;
	s4 =	simm.s32 $0x0;
	s29 =	simm.s32 $0x3E8  }
0x5: {  	s30 =	simm.s32 $0x2;
	s31 =	simm.s32 $0x1CF60;
	s28 =	simm.s32 $0x0  }
0x6: {  	s1 =	sand.u32 $0x1, s1;
	s14 =	smul.u32 $0x1880, s13;
	[smem:$0x7FF] =	sst s4  }
0x7: {  	s6 =	sadd.s32 $0xDDC00, s0;
	s7 =	sadd.s32 $0x1A600, s0;
	s16 =	smul.u32 $0x31000, s13  }
0x8: {  	s5 =	sshll.u32 s1, $0x4;
	s8 =	smul.u32 $0x18800, s1;
	_ =	strace $0x80000047  }
0x9: {  	s10 =	ssub.s32 $0x2, s1;
	s1 =	smul.u32 $0x30D400, s1;
	s5 =	sor.u32 s13, s5  }
0xa: {  	s9 =	sadd.s32 s14, s0;
	s26 =	sshrl.u32 s10, $0x1;
	s17 =	sadd.s32 $0x310, s14  }
0xb: {  	s20 =	sadd.s32 $0x620, s14;
	s21 =	sadd.s32 $0x930, s14;
	[dreg:$0x4] =	wrdreg s14  }
0xc: {  	s13 =	smul.u32 $0x30D40, s13;
	s25 =	sadd.s32 $0xC40, s14;
	[dreg:$0x9] =	wrdreg s17  }
0xd: {  	s5 =	smul.u32 $0x30D40, s5;
	s0 =	sadd.s32 s8, s0;
	[dreg:$0xc] =	wrdreg s20  }
0xe: {  	s8 =	ssub.s32 s10, s26;
	s19 =	sshll.u32 s17, $0x3;
	[dreg:$0xd] =	wrdreg s21  }
0xf: {  	s22 =	sshll.u32 s21, $0x3;
	[dreg:$0x11] =	wrdreg s25;
	s0 =	sadd.s32 $0x1B9A00, s0  }
0x10: {  	s8 =	smax.u32 s8, $0x1;
	s24 =	sadd.s32 s22, s3;
	s26 =	sadd.s32 s13, s1  }
0x11: {  	s13 =	sshll.u32 s25, $0x3;
	s11 =	sadd.s32 $0x3E8, s5;
	[dreg:$0x7] =	wrdreg s0  }
0x12: {  	s12 =	sshrl.u32 s5, $0x3;
	s0 =	sshrl.u32 s16, $0x2;
	[dreg:$0x8] =	wrdreg s8  }
0x13: {  	s5 =	sadd.s32 $0x30958, s5;
	[dreg:$0x10] =	wrdreg s24;
	s1 =	sadd.s32 s13, s3  }
0x14: {  	s8 =	sshll.u32 s20, $0x3;
	s16 =	sadd.s32 $0x1260, s14;
	[dreg:$0x14] =	wrdreg s1  }
0x15: {  	s20 =	sadd.s32 $0x1570, s14;
	s24 =	sadd.s32 $0xBB8, s26;
	[dreg:$0x13] =	wrdreg s16  }
0x16: {  	s26 =	sadd.s32 $0x7D0, s26;
	s11 =	sshrl.u32 s11, $0x3;
	[dreg:$0x18] =	wrdreg s20  }
0x17: {  	s5 =	sshrl.u32 s5, $0x3;
	s23 =	sadd.s32 s8, s3;
	[dreg:$0x1f] =	wrdreg s26  }
0x18: {  	s21 =	sadd.s32 s7, s12;
	s22 =	sadd.s32 $0x60AE, s12;
	[dreg:$0xf] =	wrdreg s23  }
0x19: {  	s8 =	sshll.u32 s20, $0x3;
	s15 =	sadd.s32 s6, s11;
	[dreg:$0x19] =	wrdreg s21  }
0x1a: {  	s25 =	sshrl.u32 s24, $0x3;
	s10 =	sadd.s32 s7, s11;
	[dreg:$0x5] =	wrdreg s15  }
0x1b: {  	s24 =	simm.s32 $0x1A468;
	s18 =	sadd.s32 s6, s5;
	[dreg:$0x6] =	wrdreg s10  }
0x1c: {  	s26 =	simm.s32 $0x1;
	s5 =	sadd.s32 s7, s5;
	[dreg:$0xa] =	wrdreg s18  }
0x1d: {  	s20 =	simm.s32 $0x1B020;
	s11 =	sadd.s32 $0xF50, s14;
	[dreg:$0xb] =	wrdreg s5  }
0x1e: {  	s8 =	sadd.s32 s8, s3;
	s23 =	sadd.s32 s6, s22;
	[dreg:$0x12] =	wrdreg s11  }
0x1f: {  	s21 =	simm.s32 $0x3;
	s5 =	sadd.s32 s19, s3;
	[dreg:$0x1a] =	wrdreg s8  }
0x20: {  	s15 =	sshll.u32 s11, $0x3;
	s18 =	sshll.u32 s16, $0x3;
	[dreg:$0x1b] =	wrdreg s23  }
0x21: {  	s19 =	sadd.s32 s6, s12;
	s8 =	sadd.s32 $0x1E00, s9;
	[dreg:$0xe] =	wrdreg s5  }
0x22: {  	s10 =	sadd.s32 s0, s3;
	s0 =	sadd.s32 s0, s2;
	[dreg:$0x17] =	wrdreg s19  }
0x23: {  	s12 =	simm.s32 $0x18800;
	s16 =	simm.s32 $0x1A080;
	[dreg:$0x1e] =	wrdreg s0  }
0x24: {  	s23 =	simm.s32 $0x1A850;
	s17 =	sadd.s32 s15, s3;
	[dreg:$0x1d] =	wrdreg s10  }
0x25: {  	s1 =	sadd.s32 s18, s3;
	s18 =	sadd.s32 s25, s6;
	[dreg:$0x15] =	wrdreg s17  }
0x26: {  	s15 =	simm.s32 $0x6;
	s0 =	simm.s32 $0x4;
	[dreg:$0x16] =	wrdreg s1  }
0x27: {  	s1 =	sadd.s32 s7, s22;
	s17 =	sadd.s32 s25, s7;
	s25 =	simm.s32 $0x1AC38  }
0x28: {  	s22 =	simm.s32 $0x5;
	[dreg:$0x1c] =	wrdreg s1;
	s1 =	sadd.s32 $0x1A1200, s9  }
.LBB2_1:
0x29: {  	s5 =	sadd.s32 $0x0, s8  }
0x2a: {  	[tilespmem:s12], [sflag:$0x6] =	stream.linear.gather [hbm4b:s5+s4], $0x1880, $0x38;
	[tilespmem:$0x1EEA0] =	vst v63  }
0x2b: {  	_ =	swait.ge [sflag:s15], $0x1880  }
0x2c: {  	[sflag:s15] =	ssyncset.done $0x0  }
0x2d: {  	s9 =	rddreg [dreg:$0x1e];
	[sflag:s15] =	ssyncadd.s32 $0xFFFFE780  }
0x2e: {  	[spmem:s9] =	stream.linear.scatter [tilespmem:s12], [sflag:$0x6], $0x1880, $0x38;
	[tilespmem:$0x1EEA0] =	vst v63  }
0x2f: {  	_ =	swait.ge [sflag:s15], $0x1880  }
0x30: {  	[sflag:s15] =	ssyncset.done $0x0  }
0x31: {  	s19 =	sadd.s32 $0x0, s1;
	[sflag:s15] =	ssyncadd.s32 $0xFFFFE780  }
0x32: {  	[tilespmem:s12], [sflag:$0x6] =	stream.linear.gather [hbm4b:s19+s4], $0x1880, $0x38;
	[tilespmem:$0x1EEA0] =	vst v63  }
0x33: {  	_ =	swait.ge [sflag:s15], $0x1880  }
0x34: {  	[sflag:s15] =	ssyncset.done $0x0  }
0x35: {  	[sflag:s15] =	ssyncadd.s32 $0xFFFFE780  }
0x36: {  	[spmem:s10] =	stream.linear.scatter [tilespmem:s12], [sflag:$0x6], $0x1880, $0x38;
	[tilespmem:$0x1EEA0] =	vst v63  }
0x37: {  	s11 =	simm.s32 $0x310;
	s13 =	simm.s32 $0x620;
	_ =	swait.ge [sflag:s15], $0x1880  }
0x38: {  	s5 =	sadd.s32 $0x1880, s10;
	s19 =	sadd.s32 $0x1880, s9;
	[sflag:s15] =	ssyncset.done $0x0  }
.LBB2_2:
0x39: {  	s14 =	sadd.s32 s11, s8  }
0x3a: {  	[sflag:s15] =	ssyncadd.s32 $0xFFFFE780;
	s9 =	smov.u32 s13;
	s10 =	sadd.s32 $0x310, s13  }
0x3b: {  	[tilespmem:s12], [sflag:$0x6] =	stream.linear.gather [hbm4b:s14+s4], $0x1880, $0x38;
	[tilespmem:$0x1EEA0] =	vst v63  }
0x3c: {  	p0 =	sne.s32 s13, $0x1570;
	_ =	swait.ge [sflag:s15], $0x1880  }
0x3d: {  	[sflag:s15] =	ssyncset.done $0x0  }
0x3e: {  	[sflag:s15] =	ssyncadd.s32 $0xFFFFE780  }
0x3f: {  	[spmem:s19] =	stream.linear.scatter [tilespmem:s12], [sflag:$0x6], $0x1880, $0x38;
	[tilespmem:$0x1EEA0] =	vst v63  }
0x40: {  	_ =	swait.ge [sflag:s15], $0x1880  }
0x41: {  	[sflag:s15] =	ssyncset.done $0x0  }
0x42: {  	s13 =	sadd.s32 s11, s1;
	s11 =	smov.u32 s9;
	[sflag:s15] =	ssyncadd.s32 $0xFFFFE780  }
0x43: {  	[tilespmem:s12], [sflag:$0x6] =	stream.linear.gather [hbm4b:s13+s4], $0x1880, $0x38;
	[tilespmem:$0x1EEA0] =	vst v63  }
0x44: {  	_ =	swait.ge [sflag:s15], $0x1880  }
.Ltmp0:
0x45: {  	[sflag:s15] =	ssyncset.done $0x0;
	(pc) =	sbr.rel @p0 .LBB2_2-.Ltmp0, $4  }
0x46: {  	[sflag:s15] =	ssyncadd.s32 $0xFFFFE780  }
0x47: {  	[spmem:s5] =	stream.linear.scatter [tilespmem:s12], [sflag:$0x6], $0x1880, $0x38;
	[tilespmem:$0x1EEA0] =	vst v63  }
0x48: {  	s19 =	sadd.s32 $0x1880, s19;
	_ =	swait.ge [sflag:s15], $0x1880  }
0x49: {  	s13 =	smov.u32 s10;
	s5 =	sadd.s32 $0x1880, s5;
	[sflag:s15] =	ssyncset.done $0x0  }
0x4a: {  	s9 =	sadd.s32 s11, s8;
	[sflag:s15] =	ssyncadd.s32 $0xFFFFE780  }
0x4b: {  	[tilespmem:s12], [sflag:$0x6] =	stream.linear.gather [hbm4b:s9+s4], $0x1880, $0x38;
	[tilespmem:$0x1EEA0] =	vst v63  }
0x4c: {  	_ =	swait.ge [sflag:s15], $0x1880  }
0x4d: {  	[sflag:s15] =	ssyncset.done $0x0  }
0x4e: {  	[sflag:s15] =	ssyncadd.s32 $0xFFFFE780  }
0x4f: {  	[spmem:s19] =	stream.linear.scatter [tilespmem:s12], [sflag:$0x6], $0x1880, $0x38;
	[tilespmem:$0x1EEA0] =	vst v63  }
0x50: {  	_ =	swait.ge [sflag:s15], $0x1880  }
0x51: {  	[sflag:s15] =	ssyncset.done $0x0  }
0x52: {  	s11 =	sadd.s32 s11, s1;
	[sflag:s15] =	ssyncadd.s32 $0xFFFFE780  }
0x53: {  	[tilespmem:s12], [sflag:$0x6] =	stream.linear.gather [hbm4b:s11+s4], $0x1880, $0x38;
	[tilespmem:$0x1EEA0] =	vst v63  }
0x54: {  	_ =	swait.ge [sflag:s15], $0x1880  }
0x55: {  	[sflag:s15] =	ssyncset.done $0x0  }
0x56: {  	[sflag:s15] =	ssyncadd.s32 $0xFFFFE780  }
0x57: {  	[spmem:s5] =	stream.linear.scatter [tilespmem:s12], [sflag:$0x6], $0x1880, $0x38;
	[tilespmem:$0x1EEA0] =	vst v63  }
0x58: {  	_ =	swait.ge [sflag:s15], $0x1880  }
0x59: {  	[sflag:s15] =	ssyncset.done $0x0  }
0x5a: {  	[sflag:s15] =	ssyncadd.s32 $0xFFFFE780  }
0x5b: {  	[bflag:$0x0] =	sbarrier.arrive $0xFFFF  }
0x5c: {  	s13 =	simm.s32 $0x0;
	s14 =	rddreg [dreg:$0x17]  }
0x5d: {  	[tilespmem:s16], [sflag:$0x1] =	stream.linear.gather [hbm4b:s14+s13], $0x3E8, $0x38;
	[tilespmem:$0x1EEA0] =	vst v63  }
0x5e: {  	s19 =	rddreg [dreg:$0x19]  }
0x5f: {  	[tilespmem:s23], [sflag:$0x1] =	stream.linear.gather [hbm4b:s19+s13], $0x3E8, $0x38;
	[tilespmem:$0x1EEA0] =	vst v63  }
0x60: {  	s10 =	rddreg [dreg:$0x5]  }
0x61: {  	[tilespmem:s24], [sflag:$0x2] =	stream.linear.gather [hbm4b:s10+s13], $0x3E8, $0x38;
	[tilespmem:$0x1EEA0] =	vst v63  }
0x62: {  	s11 =	rddreg [dreg:$0x6]  }
0x63: {  	[tilespmem:s25], [sflag:$0x2] =	stream.linear.gather [hbm4b:s11+s13], $0x3E8, $0x38;
	[tilespmem:$0x1EEA0] =	vst v63  }
0x64: {  	_ =	swait.ge [sflag:s26], $0x3E8  }
0x65: {  	[sflag:s26] =	ssyncset.done $0x0  }
0x66: {  	[sflag:s26] =	ssyncadd.s32 $0xFFFFFC18  }
0x67: {  	_ =	swait.ge [sflag:s26], $0x3E8  }
0x68: {  	[sflag:s26] =	ssyncset.done $0x0  }
0x69: {  	[sflag:s26] =	ssyncadd.s32 $0xFFFFFC18  }
0x6a: {  	[tilespmem:s20], [sflag:$0x3] =	stream.indirect.gather [spmem:s2], $0x8, s16, s29, $0xb8;
	[tilespmem:$0x1EEA0] =	vst v63  }
0x6b: {  	_ =	swait.ge [sflag:s21], $0x1F40  }
0x6c: {  	[sflag:s21] =	ssyncset.done $0x0  }
0x6d: {  	[sflag:s21] =	ssyncadd.s32 $0xFFFFE0C0  }
0x6e: {  	[spmem:s3] =	stream.indirect.scatter.add.f32 [tilespmem:s20], [sflag:$0x4], $0x8, s23, s29, $0xb8;
	[tilespmem:$0x1EEA0] =	vst v63  }
0x6f: {  	_ =	swait.ge [sflag:s30], $0x3E8  }
0x70: {  	[sflag:s30] =	ssyncset.done $0x0  }
0x71: {  	[sflag:s30] =	ssyncadd.s32 $0xFFFFFC18  }
0x72: {  	_ =	swait.ge [sflag:s30], $0x3E8  }
0x73: {  	[sflag:s30] =	ssyncset.done $0x0  }
0x74: {  	[sflag:s30] =	ssyncadd.s32 $0xFFFFFC18  }
0x75: {  	[tilespmem:s31], [sflag:$0x3] =	stream.indirect.gather [spmem:s2], $0x8, s24, s29, $0xb8;
	[tilespmem:$0x1EEA0] =	vst v63  }
0x76: {  	_ =	swait.ge [sflag:s21], $0x1F40  }
0x77: {  	[sflag:s21] =	ssyncset.done $0x0  }
0x78: {  	[sflag:s21] =	ssyncadd.s32 $0xFFFFE0C0  }
0x79: {  	_ =	swait.ge [sflag:s0], $0x1F40  }
0x7a: {  	s10 =	rddreg [dreg:$0x1f]  }
0x7b: {  	[sflag:s0] =	ssyncset.done $0x0;
	s13 =	sshrl.u32 s10, $0x3  }
0x7c: {  	[sflag:s0] =	ssyncadd.s32 $0xFFFFE0C0;
	s14 =	sadd.s32 s6, s13  }
0x7d: {  	[tilespmem:s16], [sflag:$0x1] =	stream.linear.gather [hbm4b:s14+s4], $0x3E8, $0x38;
	[tilespmem:$0x1EEA0] =	vst v63  }
0x7e: {  	s5 =	sadd.s32 s7, s13  }
0x7f: {  	[tilespmem:s23], [sflag:$0x1] =	stream.linear.gather [hbm4b:s5+s4], $0x3E8, $0x38;
	[tilespmem:$0x1EEA0] =	vst v63  }
0x80: {  	_ = 	snop  }
0x81: {  	[spmem:s3] =	stream.indirect.scatter.add.f32 [tilespmem:s31], [sflag:$0x5], $0x8, s25, s29, $0xb8;
	[tilespmem:$0x1EEA0] =	vst v63  }
0x82: {  	_ =	swait.ge [sflag:s22], $0x1F40  }
0x83: {  	s19 =	sadd.s32 $0x0, s18;
	s11 =	sadd.s32 $0x7D0, s10;
	[sflag:s22] =	ssyncset.done $0x0  }
0x84: {  	s13 =	sadd.s32 $0x0, s17;
	s5 =	simm.s32 $0xFA;
	[sflag:s22] =	ssyncadd.s32 $0xFFFFE0C0  }
0x85: {  	[tilespmem:s24], [sflag:$0x2] =	stream.linear.gather [hbm4b:s19+s4], $0x3E8, $0x38;
	[tilespmem:$0x1EEA0] =	vst v63  }
.LBB2_4:
0x86: {  	[tilespmem:s25], [sflag:$0x2] =	stream.linear.gather [hbm4b:s13+s4], $0x3E8, $0x38;
	[tilespmem:$0x1EEA0] =	vst v63  }
0x87: {  	s19 =	smov.u32 s5  }
0x88: {  	p0 =	sne.s32 s5, $0x5EBA;
	s5 =	sadd.s32 $0xFA, s5;
	_ =	swait.ge [sflag:s26], $0x3E8  }
0x89: {  	[sflag:s26] =	ssyncset.done $0x0  }
0x8a: {  	[sflag:s26] =	ssyncadd.s32 $0xFFFFFC18  }
0x8b: {  	_ =	swait.ge [sflag:s26], $0x3E8  }
0x8c: {  	[sflag:s26] =	ssyncset.done $0x0  }
0x8d: {  	[sflag:s26] =	ssyncadd.s32 $0xFFFFFC18  }
0x8e: {  	[tilespmem:s20], [sflag:$0x3] =	stream.indirect.gather [spmem:s2], $0x8, s16, s29, $0xb8;
	[tilespmem:$0x1EEA0] =	vst v63  }
0x8f: {  	_ =	swait.ge [sflag:s21], $0x1F40  }
0x90: {  	[sflag:s21] =	ssyncset.done $0x0  }
0x91: {  	[sflag:s21] =	ssyncadd.s32 $0xFFFFE0C0  }
0x92: {  	[spmem:s3] =	stream.indirect.scatter.add.f32 [tilespmem:s20], [sflag:$0x4], $0x8, s23, s29, $0xb8;
	[tilespmem:$0x1EEA0] =	vst v63  }
0x93: {  	_ =	swait.ge [sflag:s30], $0x3E8  }
0x94: {  	[sflag:s30] =	ssyncset.done $0x0  }
0x95: {  	[sflag:s30] =	ssyncadd.s32 $0xFFFFFC18  }
0x96: {  	_ =	swait.ge [sflag:s30], $0x3E8  }
0x97: {  	[sflag:s30] =	ssyncset.done $0x0  }
0x98: {  	[sflag:s30] =	ssyncadd.s32 $0xFFFFFC18  }
0x99: {  	[tilespmem:s31], [sflag:$0x3] =	stream.indirect.gather [spmem:s2], $0x8, s24, s29, $0xb8;
	[tilespmem:$0x1EEA0] =	vst v63  }
0x9a: {  	_ =	swait.ge [sflag:s21], $0x1F40  }
0x9b: {  	[sflag:s21] =	ssyncset.done $0x0  }
0x9c: {  	[sflag:s21] =	ssyncadd.s32 $0xFFFFE0C0  }
0x9d: {  	_ =	swait.ge [sflag:s0], $0x1F40  }
0x9e: {  	s9 =	sshrl.u32 s11, $0x3;
	[sflag:s0] =	ssyncset.done $0x0  }
0x9f: {  	s10 =	sadd.s32 s6, s9;
	[sflag:s0] =	ssyncadd.s32 $0xFFFFE0C0  }
0xa0: {  	[tilespmem:s16], [sflag:$0x1] =	stream.linear.gather [hbm4b:s10+s4], $0x3E8, $0x38;
	[tilespmem:$0x1EEA0] =	vst v63  }
0xa1: {  	s9 =	sadd.s32 s7, s9  }
0xa2: {  	[tilespmem:s23], [sflag:$0x1] =	stream.linear.gather [hbm4b:s9+s4], $0x3E8, $0x38;
	[tilespmem:$0x1EEA0] =	vst v63  }
0xa3: {  	_ = 	snop  }
0xa4: {  	[spmem:s3] =	stream.indirect.scatter.add.f32 [tilespmem:s31], [sflag:$0x5], $0x8, s25, s29, $0xb8;
	[tilespmem:$0x1EEA0] =	vst v63  }
.Ltmp1:
0xa5: {  	_ =	swait.ge [sflag:s22], $0x1F40;
	(pc) =	sbr.rel @p0 .LBB2_4-.Ltmp1, $4  }
0xa6: {  	[sflag:s22] =	ssyncset.done $0x0  }
0xa7: {  	s9 =	sadd.s32 s19, s18;
	[sflag:s22] =	ssyncadd.s32 $0xFFFFE0C0  }
0xa8: {  	[tilespmem:s24], [sflag:$0x2] =	stream.linear.gather [hbm4b:s9+s4], $0x3E8, $0x38;
	[tilespmem:$0x1EEA0] =	vst v63  }
0xa9: {  	s11 =	sadd.s32 $0x7D0, s11;
	s13 =	sadd.s32 s19, s17  }
0xaa: {  	[tilespmem:s25], [sflag:$0x2] =	stream.linear.gather [hbm4b:s13+s4], $0x3E8, $0x38;
	[tilespmem:$0x1EEA0] =	vst v63  }
0xab: {  	_ =	swait.ge [sflag:s26], $0x3E8  }
0xac: {  	[sflag:s26] =	ssyncset.done $0x0  }
0xad: {  	[sflag:s26] =	ssyncadd.s32 $0xFFFFFC18  }
0xae: {  	_ =	swait.ge [sflag:s26], $0x3E8  }
0xaf: {  	[sflag:s26] =	ssyncset.done $0x0  }
0xb0: {  	[sflag:s26] =	ssyncadd.s32 $0xFFFFFC18  }
0xb1: {  	[tilespmem:s20], [sflag:$0x3] =	stream.indirect.gather [spmem:s2], $0x8, s16, s29, $0xb8;
	[tilespmem:$0x1EEA0] =	vst v63  }
0xb2: {  	_ =	swait.ge [sflag:s21], $0x1F40  }
0xb3: {  	[sflag:s21] =	ssyncset.done $0x0  }
0xb4: {  	[sflag:s21] =	ssyncadd.s32 $0xFFFFE0C0  }
0xb5: {  	[spmem:s3] =	stream.indirect.scatter.add.f32 [tilespmem:s20], [sflag:$0x4], $0x8, s23, s29, $0xb8;
	[tilespmem:$0x1EEA0] =	vst v63  }
0xb6: {  	_ =	swait.ge [sflag:s30], $0x3E8  }
0xb7: {  	[sflag:s30] =	ssyncset.done $0x0  }
0xb8: {  	[sflag:s30] =	ssyncadd.s32 $0xFFFFFC18  }
0xb9: {  	_ =	swait.ge [sflag:s30], $0x3E8  }
0xba: {  	[sflag:s30] =	ssyncset.done $0x0  }
0xbb: {  	[sflag:s30] =	ssyncadd.s32 $0xFFFFFC18  }
0xbc: {  	[tilespmem:s31], [sflag:$0x3] =	stream.indirect.gather [spmem:s2], $0x8, s24, s29, $0xb8;
	[tilespmem:$0x1EEA0] =	vst v63  }
0xbd: {  	_ =	swait.ge [sflag:s21], $0x1F40  }
0xbe: {  	[sflag:s21] =	ssyncset.done $0x0  }
0xbf: {  	[sflag:s21] =	ssyncadd.s32 $0xFFFFE0C0  }
0xc0: {  	_ =	swait.ge [sflag:s0], $0x1F40  }
0xc1: {  	[sflag:s0] =	ssyncset.done $0x0  }
0xc2: {  	s5 =	rddreg [dreg:$0x1b];
	[sflag:s0] =	ssyncadd.s32 $0xFFFFE0C0  }
0xc3: {  	[tilespmem:s16], [sflag:$0x1] =	stream.linear.gather [hbm4b:s5+s4], $0x3E8, $0x38;
	[tilespmem:$0x1EEA0] =	vst v63  }
0xc4: {  	s9 =	rddreg [dreg:$0x1c]  }
0xc5: {  	[tilespmem:s23], [sflag:$0x1] =	stream.linear.gather [hbm4b:s9+s4], $0x3E8, $0x38;
	[tilespmem:$0x1EEA0] =	vst v63  }
0xc6: {  	_ = 	snop  }
0xc7: {  	[spmem:s3] =	stream.indirect.scatter.add.f32 [tilespmem:s31], [sflag:$0x5], $0x8, s25, s29, $0xb8;
	[tilespmem:$0x1EEA0] =	vst v63  }
0xc8: {  	_ =	swait.ge [sflag:s22], $0x1F40  }
0xc9: {  	[sflag:s22] =	ssyncset.done $0x0  }
0xca: {  	s10 =	rddreg [dreg:$0xa];
	[sflag:s22] =	ssyncadd.s32 $0xFFFFE0C0  }
0xcb: {  	[tilespmem:s24], [sflag:$0x2] =	stream.linear.gather [hbm4b:s10+s4], $0x3E8, $0x38;
	[tilespmem:$0x1EEA0] =	vst v63  }
0xcc: {  	s9 =	rddreg [dreg:$0xb]  }
0xcd: {  	[tilespmem:s25], [sflag:$0x2] =	stream.linear.gather [hbm4b:s9+s4], $0x3E8, $0x38;
	[tilespmem:$0x1EEA0] =	vst v63  }
0xce: {  	_ =	swait.ge [sflag:s26], $0x3E8  }
0xcf: {  	[sflag:s26] =	ssyncset.done $0x0  }
0xd0: {  	[sflag:s26] =	ssyncadd.s32 $0xFFFFFC18  }
0xd1: {  	_ =	swait.ge [sflag:s26], $0x3E8  }
0xd2: {  	[sflag:s26] =	ssyncset.done $0x0  }
0xd3: {  	[sflag:s26] =	ssyncadd.s32 $0xFFFFFC18  }
0xd4: {  	[tilespmem:s20], [sflag:$0x3] =	stream.indirect.gather [spmem:s2], $0x8, s16, s29, $0xb8;
	[tilespmem:$0x1EEA0] =	vst v63  }
0xd5: {  	_ =	swait.ge [sflag:s21], $0x1F40  }
0xd6: {  	[sflag:s21] =	ssyncset.done $0x0  }
0xd7: {  	[sflag:s21] =	ssyncadd.s32 $0xFFFFE0C0  }
0xd8: {  	[spmem:s3] =	stream.indirect.scatter.add.f32 [tilespmem:s20], [sflag:$0x4], $0x8, s23, s29, $0xb8;
	[tilespmem:$0x1EEA0] =	vst v63  }
0xd9: {  	_ =	swait.ge [sflag:s30], $0x3E8  }
0xda: {  	[sflag:s30] =	ssyncset.done $0x0  }
0xdb: {  	[sflag:s30] =	ssyncadd.s32 $0xFFFFFC18  }
0xdc: {  	_ =	swait.ge [sflag:s30], $0x3E8  }
0xdd: {  	[sflag:s30] =	ssyncset.done $0x0  }
0xde: {  	[sflag:s30] =	ssyncadd.s32 $0xFFFFFC18  }
0xdf: {  	[tilespmem:s31], [sflag:$0x3] =	stream.indirect.gather [spmem:s2], $0x8, s24, s29, $0xb8;
	[tilespmem:$0x1EEA0] =	vst v63  }
0xe0: {  	_ =	swait.ge [sflag:s21], $0x1F40  }
0xe1: {  	[sflag:s21] =	ssyncset.done $0x0  }
0xe2: {  	[sflag:s21] =	ssyncadd.s32 $0xFFFFE0C0  }
0xe3: {  	_ =	swait.ge [sflag:s0], $0x1F40  }
0xe4: {  	[sflag:s0] =	ssyncset.done $0x0  }
0xe5: {  	[sflag:s0] =	ssyncadd.s32 $0xFFFFE0C0  }
0xe6: {  	[tilespmem:s16], [sflag:$0x1] =	stream.linear.gather [hbm4b:s10+s4], $0x3E8, $0x38;
	[tilespmem:$0x1EEA0] =	vst v63  }
0xe7: {  	_ = 	snop  }
0xe8: {  	[tilespmem:s23], [sflag:$0x1] =	stream.linear.gather [hbm4b:s9+s4], $0x3E8, $0x38;
	[tilespmem:$0x1EEA0] =	vst v63  }
0xe9: {  	_ = 	snop  }
0xea: {  	[spmem:s3] =	stream.indirect.scatter.add.f32 [tilespmem:s31], [sflag:$0x5], $0x8, s25, s29, $0xb8;
	[tilespmem:$0x1EEA0] =	vst v63  }
0xeb: {  	_ =	swait.ge [sflag:s22], $0x1F40  }
0xec: {  	[sflag:s22] =	ssyncset.done $0x0  }
0xed: {  	[sflag:s22] =	ssyncadd.s32 $0xFFFFE0C0  }
0xee: {  	[tilespmem:s24], [sflag:$0x2] =	stream.linear.gather [hbm4b:s10+s4], $0x3E8, $0x38;
	[tilespmem:$0x1EEA0] =	vst v63  }
0xef: {  	_ = 	snop  }
0xf0: {  	[tilespmem:s25], [sflag:$0x2] =	stream.linear.gather [hbm4b:s9+s4], $0x3E8, $0x38;
	[tilespmem:$0x1EEA0] =	vst v63  }
0xf1: {  	_ =	swait.ge [sflag:s26], $0x3E8  }
0xf2: {  	[sflag:s26] =	ssyncset.done $0x0  }
0xf3: {  	[sflag:s26] =	ssyncadd.s32 $0xFFFFFC18  }
0xf4: {  	_ =	swait.ge [sflag:s26], $0x3E8  }
0xf5: {  	[sflag:s26] =	ssyncset.done $0x0  }
0xf6: {  	[sflag:s26] =	ssyncadd.s32 $0xFFFFFC18  }
0xf7: {  	_ =	swait.ge [sflag:s30], $0x3E8  }
0xf8: {  	[sflag:s30] =	ssyncset.done $0x0  }
0xf9: {  	[sflag:s30] =	ssyncadd.s32 $0xFFFFFC18  }
0xfa: {  	_ =	swait.ge [sflag:s30], $0x3E8  }
0xfb: {  	[sflag:s30] =	ssyncset.done $0x0  }
0xfc: {  	[sflag:s30] =	ssyncadd.s32 $0xFFFFFC18  }
0xfd: {  	[bflag:$0x0] =	sbarrier.arrive $0xFFFF  }
0xfe: {  	s10 =	rddreg [dreg:$0x1d]  }
0xff: {  	[tilespmem:s12], [sflag:$0x6] =	stream.linear.gather [spmem:s10], $0x1880, $0x38;
	[tilespmem:$0x1EEA0] =	vst v63  }
0x100: {  	_ =	swait.ge [sflag:s15], $0x1880  }
0x101: {  	s11 =	rddreg [dreg:$0x4]  }
0x102: {  	[sflag:s15] =	ssyncset.done $0x0;
	s9 =	rddreg [dreg:$0x7]  }
0x103: {  	[sflag:s15] =	ssyncadd.s32 $0xFFFFE780;
	s5 =	sadd.s32 s11, s9  }
0x104: {  	[hbm4b:s5+s4] =	stream.linear.scatter [tilespmem:s12], [sflag:$0x6], $0x1880, $0x38;
	[tilespmem:$0x1EEA0] =	vst v63  }
0x105: {  	_ =	swait.ge [sflag:s15], $0x1880  }
0x106: {  	[sflag:s15] =	ssyncset.done $0x0  }
0x107: {  	s13 =	rddreg [dreg:$0xe];
	[sflag:s15] =	ssyncadd.s32 $0xFFFFE780  }
0x108: {  	[tilespmem:s12], [sflag:$0x6] =	stream.linear.gather [spmem:s13], $0x1880, $0x38;
	[tilespmem:$0x1EEA0] =	vst v63  }
0x109: {  	_ =	swait.ge [sflag:s15], $0x1880  }
0x10a: {  	[sflag:s15] =	ssyncset.done $0x0;
	s14 =	rddreg [dreg:$0x9]  }
0x10b: {  	[sflag:s15] =	ssyncadd.s32 $0xFFFFE780;
	s5 =	sadd.s32 s14, s9  }
0x10c: {  	[hbm4b:s5+s4] =	stream.linear.scatter [tilespmem:s12], [sflag:$0x6], $0x1880, $0x38;
	[tilespmem:$0x1EEA0] =	vst v63  }
0x10d: {  	_ =	swait.ge [sflag:s15], $0x1880  }
0x10e: {  	[sflag:s15] =	ssyncset.done $0x0  }
0x10f: {  	s19 =	rddreg [dreg:$0xf];
	[sflag:s15] =	ssyncadd.s32 $0xFFFFE780  }
0x110: {  	[tilespmem:s12], [sflag:$0x6] =	stream.linear.gather [spmem:s19], $0x1880, $0x38;
	[tilespmem:$0x1EEA0] =	vst v63  }
0x111: {  	_ =	swait.ge [sflag:s15], $0x1880  }
0x112: {  	[sflag:s15] =	ssyncset.done $0x0;
	s11 =	rddreg [dreg:$0xc]  }
0x113: {  	[sflag:s15] =	ssyncadd.s32 $0xFFFFE780;
	s5 =	sadd.s32 s11, s9  }
0x114: {  	[hbm4b:s5+s4] =	stream.linear.scatter [tilespmem:s12], [sflag:$0x6], $0x1880, $0x38;
	[tilespmem:$0x1EEA0] =	vst v63  }
0x115: {  	_ =	swait.ge [sflag:s15], $0x1880  }
0x116: {  	[sflag:s15] =	ssyncset.done $0x0  }
0x117: {  	s13 =	rddreg [dreg:$0x10];
	[sflag:s15] =	ssyncadd.s32 $0xFFFFE780  }
0x118: {  	[tilespmem:s12], [sflag:$0x6] =	stream.linear.gather [spmem:s13], $0x1880, $0x38;
	[tilespmem:$0x1EEA0] =	vst v63  }
0x119: {  	_ =	swait.ge [sflag:s15], $0x1880  }
0x11a: {  	[sflag:s15] =	ssyncset.done $0x0;
	s14 =	rddreg [dreg:$0xd]  }
0x11b: {  	[sflag:s15] =	ssyncadd.s32 $0xFFFFE780;
	s5 =	sadd.s32 s14, s9  }
0x11c: {  	[hbm4b:s5+s4] =	stream.linear.scatter [tilespmem:s12], [sflag:$0x6], $0x1880, $0x38;
	[tilespmem:$0x1EEA0] =	vst v63  }
0x11d: {  	_ =	swait.ge [sflag:s15], $0x1880  }
0x11e: {  	[sflag:s15] =	ssyncset.done $0x0  }
0x11f: {  	s19 =	rddreg [dreg:$0x14];
	[sflag:s15] =	ssyncadd.s32 $0xFFFFE780  }
0x120: {  	[tilespmem:s12], [sflag:$0x6] =	stream.linear.gather [spmem:s19], $0x1880, $0x38;
	[tilespmem:$0x1EEA0] =	vst v63  }
0x121: {  	_ =	swait.ge [sflag:s15], $0x1880  }
0x122: {  	[sflag:s15] =	ssyncset.done $0x0;
	s11 =	rddreg [dreg:$0x11]  }
0x123: {  	[sflag:s15] =	ssyncadd.s32 $0xFFFFE780;
	s5 =	sadd.s32 s11, s9  }
0x124: {  	[hbm4b:s5+s4] =	stream.linear.scatter [tilespmem:s12], [sflag:$0x6], $0x1880, $0x38;
	[tilespmem:$0x1EEA0] =	vst v63  }
0x125: {  	_ =	swait.ge [sflag:s15], $0x1880  }
0x126: {  	[sflag:s15] =	ssyncset.done $0x0  }
0x127: {  	s13 =	rddreg [dreg:$0x15];
	[sflag:s15] =	ssyncadd.s32 $0xFFFFE780  }
0x128: {  	[tilespmem:s12], [sflag:$0x6] =	stream.linear.gather [spmem:s13], $0x1880, $0x38;
	[tilespmem:$0x1EEA0] =	vst v63  }
0x129: {  	_ =	swait.ge [sflag:s15], $0x1880  }
0x12a: {  	[sflag:s15] =	ssyncset.done $0x0;
	s14 =	rddreg [dreg:$0x12]  }
0x12b: {  	[sflag:s15] =	ssyncadd.s32 $0xFFFFE780;
	s5 =	sadd.s32 s14, s9  }
0x12c: {  	[hbm4b:s5+s4] =	stream.linear.scatter [tilespmem:s12], [sflag:$0x6], $0x1880, $0x38;
	[tilespmem:$0x1EEA0] =	vst v63  }
0x12d: {  	_ =	swait.ge [sflag:s15], $0x1880  }
0x12e: {  	[sflag:s15] =	ssyncset.done $0x0  }
0x12f: {  	s19 =	rddreg [dreg:$0x16];
	[sflag:s15] =	ssyncadd.s32 $0xFFFFE780  }
0x130: {  	[tilespmem:s12], [sflag:$0x6] =	stream.linear.gather [spmem:s19], $0x1880, $0x38;
	[tilespmem:$0x1EEA0] =	vst v63  }
0x131: {  	_ =	swait.ge [sflag:s15], $0x1880  }
0x132: {  	[sflag:s15] =	ssyncset.done $0x0;
	s11 =	rddreg [dreg:$0x13]  }
0x133: {  	[sflag:s15] =	ssyncadd.s32 $0xFFFFE780;
	s5 =	sadd.s32 s11, s9  }
0x134: {  	[hbm4b:s5+s4] =	stream.linear.scatter [tilespmem:s12], [sflag:$0x6], $0x1880, $0x38;
	[tilespmem:$0x1EEA0] =	vst v63  }
0x135: {  	_ =	swait.ge [sflag:s15], $0x1880  }
0x136: {  	[sflag:s15] =	ssyncset.done $0x0  }
0x137: {  	s13 =	rddreg [dreg:$0x1a];
	[sflag:s15] =	ssyncadd.s32 $0xFFFFE780  }
0x138: {  	[tilespmem:s12], [sflag:$0x6] =	stream.linear.gather [spmem:s13], $0x1880, $0x38;
	[tilespmem:$0x1EEA0] =	vst v63  }
0x139: {  	_ =	swait.ge [sflag:s15], $0x1880  }
0x13a: {  	[sflag:s15] =	ssyncset.done $0x0;
	s14 =	rddreg [dreg:$0x18]  }
0x13b: {  	[sflag:s15] =	ssyncadd.s32 $0xFFFFE780;
	s5 =	sadd.s32 s14, s9  }
0x13c: {  	[hbm4b:s5+s4] =	stream.linear.scatter [tilespmem:s12], [sflag:$0x6], $0x1880, $0x38;
	[tilespmem:$0x1EEA0] =	vst v63  }
0x13d: {  	_ =	swait.ge [sflag:s15], $0x1880  }
0x13e: {  	s28 =	sadd.s32 $0x1, s28;
	s19 =	rddreg [dreg:$0x8]  }
0x13f: {  	p0 =	sne.s32 s28, s19  }
.Ltmp2:
0x140: {  	_ = 	snop;
	(pc) =	sbr.rel @p0 .LBB2_1-.Ltmp2, $3  }
0x141: {  	_ =	sdelay $0x1  }
0x142: {  	[sflag:s15] =	ssyncset.done $0x0  }
0x143: {  	[sflag:s15] =	ssyncadd.s32 $0xFFFFE780  }
0x144: {  	_ =	sfence.sel $0x180000  }
0x145: {  	[bflag:$0x0] =	sbarrier.arrive $0xFFFF  }
0x146: {  	_ =	strace $0x90000047  }
0x147: {  	s0 =	stileid.u32;
	[bflag:$0x2] =	sbarrier.arrive $0xFFFF  }
0x148: {  	p0 =	sne.s32 s0, $0x0;
	s0 =	rddreg [dreg:$0x3]  }
0x149: {  	s0 =	sadd.s32 @!p0 $0x100000, s0  }
0x14a: {  	[sflag:s0] =	ssyncadd.tile.s32 @!p0 $0x1;
	_ =	shalt  }
.Lfunc_end2:
_tile_overlayer_lowered:
.L_overlay_start_2:
0x14b: {  	(tag) =	ssettag $0x2  }
0x14c: {  	s0 =	rddreg [dreg:$0x0];
	s2 =	stileid.u32  }
0x14d: {  	s1 =	rddreg [dreg:$0x1];
	p0 =	sne.s32 s2, $0x0  }
0x14e: {  	s3 =	rddreg [dreg:$0x2];
	[bflag:$0x3] =	sbarrier.arrive $0xFFFF;
	s2 =	simm.s32 @!p0 $0x1C06  }
0x14f: {  	[timem:s3], [sflag:s2] =	dma.local @!p0 [hbm:s0], s1  }
0x150: {  	s0 =	simm.s32 @!p0 $0x6  }
0x151: {  	_ =	swait.ge @!p0 [sflag:s0], s1  }
0x152: {  	s1 =	ssub.s32 @!p0 $0x0, s1;
	[sflag:s0] =	ssyncset.done @!p0 $0x0  }
0x153: {  	[sflag:s0] =	ssyncadd.s32 @!p0 s1  }
0x154: {  	[bflag:$0x3] =	sbarrier.arrive $0xFFFF  }
0x155: {  	_ =	shalt  }

</sc_bundles>
